<compile_context>
chip_gen: v7x
topology: tpu7x:2x2x1
jax: 0.10.2.dev20260603
libtpu: 0.0.44.dev20260713+nightly
codegen_flags: <defaults>
</compile_context>

<pallas_src>
import functools

import jax
import jax.numpy as jnp
from jax import lax
from jax.experimental import pallas as pl
from jax.experimental.pallas import tpu as pltpu
from jax.experimental.pallas import tpu_sc as plsc

_N_TIME = 1000
_OUT_DIM = 8
_PER_TIME = 1.0 / 1000.0
_LANES = 16
_CB = 128

_L0 = (0, 13, 26, 38)
_L1 = (13, 26, 38, 50)
_R0 = (0, 8, 24, 32)
_RN = (16, 24, 16, 19)
_O0 = (0, 16, 32, 40)
_O1 = (16, 32, 40, 50)


@functools.lru_cache(maxsize=None)
def _build(B, L):
    info = plsc.get_sparse_core_info()
    nc, ns = info.num_cores, info.num_subcores
    nw = nc * ns
    assert nw == 32 and B % _CB == 0 and B // _CB == 8 and L == 50
    nb = _CB // _LANES
    lmax = max(b - a for a, b in zip(_L0, _L1))
    niter = lmax * nb

    mesh = plsc.VectorSubcoreMesh(core_axis_name="c", subcore_axis_name="s")

    @functools.partial(
        pl.kernel,
        mesh=mesh,
        out_type=(
            jax.ShapeDtypeStruct((L * _OUT_DIM, B), jnp.float32),
            jax.ShapeDtypeStruct((L, B), jnp.float32),
        ),
        scratch_types=[
            pltpu.VMEM((max(_RN), _CB), jnp.float32),
            pltpu.VMEM((_N_TIME * _OUT_DIM,), jnp.float32),
            pltpu.VMEM((lmax * _OUT_DIM, _CB), jnp.float32),
            pltpu.VMEM((niter * _LANES,), jnp.int32),
            pltpu.SemaphoreType.DMA,
            pltpu.SemaphoreType.DMA,
        ],
        compiler_params=pltpu.CompilerParams(
            use_tc_tiling_on_sc=True, needs_layout_passes=False),
    )
    def gather_kernel(tsT_hbm, table_hbm, embT_hbm, tsoutT_hbm,
                      src_v, w_v, emb_v, idx_v, sem_w, sem_out):
        wid = lax.axis_index("s") * nc + lax.axis_index("c")
        g = lax.div(wid, 8)
        h = wid - g * 8
        c0 = pl.multiple_of(h * _CB, _CB)
        ge2 = jnp.where(g >= 2, 1, 0)
        l0 = 13 * g - (g - 2) * ge2
        lcnt = 13 - ge2
        r0 = 8 * (g + ge2)

        wcopy = pltpu.async_copy(table_hbm, w_v, sem_w)
        for gg in range(4):
            @pl.when(g == gg)
            def _():
                pltpu.sync_copy(
                    tsT_hbm.at[pl.ds(_R0[gg], _RN[gg]), pl.ds(c0, _CB)],
                    src_v.at[pl.ds(0, _RN[gg])])

        def idx_body(i, carry):
            li = jnp.minimum(lax.div(i, nb), lcnt - 1)
            k = i - lax.div(i, nb) * nb
            t = src_v[l0 + li - r0, pl.ds(k * _LANES, _LANES)]
            p = t / jnp.float32(_PER_TIME)
            ix = jnp.minimum(jnp.maximum(p.astype(jnp.int32), 0), _N_TIME - 1)
            idx_v[pl.ds(i * _LANES, _LANES)] = ix
            return carry

        lax.fori_loop(0, niter, idx_body, 0, unroll=2)

        wcopy.wait()

        wrefs = [w_v.at[pl.ds(d * _N_TIME, _N_TIME)] for d in range(_OUT_DIM)]

        def body(i, carry):
            li = jnp.minimum(lax.div(i, nb), lcnt - 1)
            k = i - lax.div(i, nb) * nb
            cc = k * _LANES
            ix = idx_v[pl.ds(i * _LANES, _LANES)]
            row0 = li * _OUT_DIM
            for d in range(_OUT_DIM):
                emb_v[row0 + d, pl.ds(cc, _LANES)] = plsc.load_gather(wrefs[d], [ix])
            return carry

        half = (lmax // 2) * nb
        hrows = (lmax // 2) * _OUT_DIM
        lax.fori_loop(0, half, body, 0, unroll=2)
        e0 = pl.multiple_of(l0 * _OUT_DIM, _OUT_DIM)
        ecopy = pltpu.async_copy(
            emb_v.at[pl.ds(0, hrows)],
            embT_hbm.at[pl.ds(e0, hrows), pl.ds(c0, _CB)], sem_out)
        lax.fori_loop(half, niter, body, 0, unroll=2)

        for gg in range(4):
            @pl.when(g == gg)
            def _():
                rows = (_L1[gg] - _L0[gg]) * _OUT_DIM - hrows
                pltpu.sync_copy(
                    emb_v.at[pl.ds(hrows, rows)],
                    embT_hbm.at[pl.ds(_L0[gg] * _OUT_DIM + hrows, rows),
                                pl.ds(c0, _CB)])
                pltpu.sync_copy(
                    src_v.at[pl.ds(_O0[gg] - _R0[gg], _O1[gg] - _O0[gg])],
                    tsoutT_hbm.at[pl.ds(_O0[gg], _O1[gg] - _O0[gg]),
                                  pl.ds(c0, _CB)])
        ecopy.wait()

    return gather_kernel


def kernel(input, timestamp, train, W, b):
    B, L = input.shape
    table = (W + b[:, None]).reshape(_OUT_DIM * _N_TIME)
    embT, tsT = _build(B, L)(timestamp.T, table)
    emb = embT.reshape(L, _OUT_DIM, B).transpose(2, 0, 1)
    return (emb, tsT.T)

# --- scband reference (transcript-rebuilt; emitter-appended) ---
"""Pipeline reference for scband-slide-time-encoder-70755291234328 (READ-ONLY COPY).

The authoritative reference and input builder live on the scoring server;
editing this copy changes nothing except your own understanding.
"""

import jax, jax.numpy as jnp
import numpy as np

N_TIME = 1000
MIN_TIME = 0.0
PER_TIME = 1.0 / 1000.0  # pass_time / n_time_interval = 1.0 / 1000
OUT_DIM = 8
BATCH = 1024
HIST = 50


def setup_inputs(seed: int = 0) -> dict:
    key = jax.random.key(seed)
    k1, k2, k3 = jax.random.split(key, 3)
    inp = jax.random.randint(k1, (BATCH, HIST), 0, 100000, dtype=jnp.int32)
    timestamp = jax.random.uniform(k2, (BATCH, HIST + 1), dtype=jnp.float32)
    # xavier_normal_ init for linear_1.weight: shape [out_dim, n_time_interval]
    std = (2.0 / (N_TIME + OUT_DIM)) ** 0.5
    W = jax.random.normal(k3, (OUT_DIM, N_TIME), dtype=jnp.float32) * std
    b = jnp.zeros((OUT_DIM,), dtype=jnp.float32)
    return {"input": inp, "timestamp": timestamp, "train": 1, "W": W, "b": b}


def reference(input, timestamp, train, W, b):
    B, L = input.shape
    # drop last timestamp column
    ts = timestamp[:, :-1]
    # bucketize elapsed time into [0, n_time_interval) bins
    pass_time = (ts - MIN_TIME) / PER_TIME
    idx = jnp.maximum(jnp.floor(pass_time).astype(jnp.int32), 0).reshape(B * L)
    # one-hot scatter: zeros.scatter_(1, idx, 1)
    one_hot = jnp.zeros((B * L, N_TIME), dtype=jnp.float32).at[
        jnp.arange(B * L), idx
    ].set(1.0)
    # linear_1(one_hot): equivalent to embedding lookup of W rows + bias
    time_embedding = one_hot @ W.T + b
    time_embedding = time_embedding.reshape(B, L, OUT_DIM)
    return (time_embedding, ts)

if __name__ == "__main__":
    import jax
    _d = setup_inputs()
    print(jax.jit(kernel)(*tuple(_d.values())))

</pallas_src>

<mosaic_0001>
#map = affine_map<(d0, d1) -> (0, 0)>
#map1 = affine_map<(d0, d1) -> (0)>
module attributes {stable_mosaic.version = 14 : i64} {
  func.func @gather_kernel(%arg0: i32, %arg1: i32, %arg2: memref<51x1024xf32, #tpu.memory_space<hbm>>, %arg3: memref<8000xf32, #tpu.memory_space<hbm>>, %arg4: memref<400x1024xf32, #tpu.memory_space<hbm>>, %arg5: memref<50x1024xf32, #tpu.memory_space<hbm>>, %arg6: memref<24x128xf32, #tpu.memory_space<vmem>>, %arg7: memref<8000xf32, #tpu.memory_space<vmem>>, %arg8: memref<104x128xf32, #tpu.memory_space<vmem>>, %arg9: memref<1664xi32, #tpu.memory_space<vmem>>, %arg10: memref<!tpu.dma_semaphore, #tpu.memory_space<semaphore_mem>>, %arg11: memref<!tpu.dma_semaphore, #tpu.memory_space<semaphore_mem>>) attributes {dimension_semantics = [#tpu.dimension_semantics<core_parallel>, #tpu.dimension_semantics<subcore_parallel>], iteration_bounds = array<i64: 2, 16>, scalar_prefetch = 0 : i64, scratch_operands = 6 : i64, tpu.core_type = #tpu.core_type<sc_vector_subcore>, window_params = [{transform_indices = #map}, {transform_indices = #map1}, {transform_indices = #map}, {transform_indices = #map}]} {
    %mul3A = arith.constant 2 : i32
    %mul3A_0 = arith.muli %arg1, %mul3A : i32
    %add3A = arith.addi %mul3A_0, %arg0 : i32
    %div3A = arith.constant 8 : i32
    %div3A_1 = arith.divsi %add3A, %div3A : i32
    %mul3A_2 = arith.constant 8 : i32
    %mul3A_3 = arith.muli %div3A_1, %mul3A_2 : i32
    %sub3A = arith.subi %add3A, %mul3A_3 : i32
    %mul3A_4 = arith.constant 128 : i32
    %mul3A_5 = arith.muli %sub3A, %mul3A_4 : i32
    %multiple_of3A = tpu.assume_multiple %mul3A_5, 128 : i32
    %ge3A = arith.constant 2 : i32
    %ge3A_6 = arith.cmpi sge, %div3A_1, %ge3A : i32
    %jit3A = arith.constant 1 : i32
    %jit3A_7 = arith.constant 0 : i32
    %select_n3A = arith.select %ge3A_6, %jit3A, %jit3A_7 : i32
    %mul3A_8 = arith.constant 13 : i32
    %mul3A_9 = arith.muli %mul3A_8, %div3A_1 : i32
    %sub3A_10 = arith.constant 2 : i32
    %sub3A_11 = arith.subi %div3A_1, %sub3A_10 : i32
    %mul3A_12 = arith.muli %sub3A_11, %select_n3A : i32
    %sub3A_13 = arith.subi %mul3A_9, %mul3A_12 : i32
    %sub3A_14 = arith.constant 13 : i32
    %sub3A_15 = arith.subi %sub3A_14, %select_n3A : i32
    %add3A_16 = arith.addi %div3A_1, %select_n3A : i32
    %mul3A_17 = arith.constant 8 : i32
    %mul3A_18 = arith.muli %mul3A_17, %add3A_16 : i32
    tpu.enqueue_dma source(%arg3 : memref<8000xf32, #tpu.memory_space<hbm>>) target(%arg7 : memref<8000xf32, #tpu.memory_space<vmem>>) target_semaphore(%arg10 : memref<!tpu.dma_semaphore, #tpu.memory_space<semaphore_mem>>)
    %eq3A = arith.constant 0 : i32
    %eq3A_19 = arith.cmpi eq, %div3A_1, %eq3A : i32
    %convert_element_type3A = arith.extui %eq3A_19 : i1 to i32
    %cond3A = arith.constant 0 : i32
    %cond3A_20 = arith.cmpi ne, %convert_element_type3A, %cond3A : i32
    scf.if %cond3A_20 {
      "tpu.region"() ({
        %run_scoped3A = tpu.sem_alloc : memref<!tpu.dma_semaphore, #tpu.memory_space<semaphore_mem>>
        %dma_start3A_90 = arith.constant 0 : i32
        %dma_start3A_91 = arith.constant 0 : i32
        %dma_start3A_92 = tpu.memref_slice %arg6[%dma_start3A_90, %dma_start3A_91] : memref<24x128xf32, #tpu.memory_space<vmem>> -> memref<16x128xf32, #tpu.memory_space<vmem>>
        %dma_start3A_93 = arith.constant 0 : i32
        %dma_start3A_94 = tpu.memref_slice %arg2[%dma_start3A_93, %multiple_of3A] : memref<51x1024xf32, #tpu.memory_space<hbm>> -> memref<16x128xf32, #tpu.memory_space<hbm>>
        %dma_start3A_95 = arith.constant 0 : i32
        %dma_start3A_96 = arith.constant 0 : i32
        %dma_start3A_97 = tpu.memref_slice %arg6[%dma_start3A_95, %dma_start3A_96] : memref<24x128xf32, #tpu.memory_space<vmem>> -> memref<16x128xf32, #tpu.memory_space<vmem>>
        %dma_start3A_98 = arith.constant 0 : i32
        %dma_start3A_99 = tpu.memref_slice %arg2[%dma_start3A_98, %multiple_of3A] : memref<51x1024xf32, #tpu.memory_space<hbm>> -> memref<16x128xf32, #tpu.memory_space<hbm>>
        tpu.enqueue_dma source(%dma_start3A_99 : memref<16x128xf32, #tpu.memory_space<hbm>>) target(%dma_start3A_97 : memref<16x128xf32, #tpu.memory_space<vmem>>) target_semaphore(%run_scoped3A : memref<!tpu.dma_semaphore, #tpu.memory_space<semaphore_mem>>)
        %dma_wait3A_100 = arith.constant 0 : i32
        %dma_wait3A_101 = arith.constant 0 : i32
        %dma_wait3A_102 = tpu.memref_slice %arg6[%dma_wait3A_100, %dma_wait3A_101] : memref<24x128xf32, #tpu.memory_space<vmem>> -> memref<16x128xf32, #tpu.memory_space<vmem>>
        %dma_wait3A_103 = arith.constant 0 : i32
        %dma_wait3A_104 = tpu.memref_slice %arg2[%dma_wait3A_103, %multiple_of3A] : memref<51x1024xf32, #tpu.memory_space<hbm>> -> memref<16x128xf32, #tpu.memory_space<hbm>>
        %dma_wait3A_105 = arith.constant 0 : i32
        %dma_wait3A_106 = arith.constant 0 : i32
        %dma_wait3A_107 = tpu.memref_slice %arg6[%dma_wait3A_105, %dma_wait3A_106] : memref<24x128xf32, #tpu.memory_space<vmem>> -> memref<16x128xf32, #tpu.memory_space<vmem>>
        %dma_wait3A_108 = arith.constant 0 : i32
        %dma_wait3A_109 = tpu.memref_slice %arg2[%dma_wait3A_108, %multiple_of3A] : memref<51x1024xf32, #tpu.memory_space<hbm>> -> memref<16x128xf32, #tpu.memory_space<hbm>>
        tpu.wait_dma2 semaphore(%run_scoped3A : memref<!tpu.dma_semaphore, #tpu.memory_space<semaphore_mem>>) src(%dma_wait3A_109 : memref<16x128xf32, #tpu.memory_space<hbm>>) dst(%dma_wait3A_107 : memref<16x128xf32, #tpu.memory_space<vmem>>)
        tpu.yield
      }) : () -> ()
    } else {
    }
    %eq3A_21 = arith.constant 1 : i32
    %eq3A_22 = arith.cmpi eq, %div3A_1, %eq3A_21 : i32
    %convert_element_type3A_23 = arith.extui %eq3A_22 : i1 to i32
    %cond3A_24 = arith.constant 0 : i32
    %cond3A_25 = arith.cmpi ne, %convert_element_type3A_23, %cond3A_24 : i32
    scf.if %cond3A_25 {
      "tpu.region"() ({
        %run_scoped3A = tpu.sem_alloc : memref<!tpu.dma_semaphore, #tpu.memory_space<semaphore_mem>>
        %dma_start3A_90 = arith.constant 0 : i32
        %dma_start3A_91 = arith.constant 0 : i32
        %dma_start3A_92 = tpu.memref_slice %arg6[%dma_start3A_90, %dma_start3A_91] : memref<24x128xf32, #tpu.memory_space<vmem>> -> memref<24x128xf32, #tpu.memory_space<vmem>>
        %dma_start3A_93 = arith.constant 8 : i32
        %dma_start3A_94 = tpu.memref_slice %arg2[%dma_start3A_93, %multiple_of3A] : memref<51x1024xf32, #tpu.memory_space<hbm>> -> memref<24x128xf32, #tpu.memory_space<hbm>>
        %dma_start3A_95 = arith.constant 0 : i32
        %dma_start3A_96 = arith.constant 0 : i32
        %dma_start3A_97 = tpu.memref_slice %arg6[%dma_start3A_95, %dma_start3A_96] : memref<24x128xf32, #tpu.memory_space<vmem>> -> memref<24x128xf32, #tpu.memory_space<vmem>>
        %dma_start3A_98 = arith.constant 8 : i32
        %dma_start3A_99 = tpu.memref_slice %arg2[%dma_start3A_98, %multiple_of3A] : memref<51x1024xf32, #tpu.memory_space<hbm>> -> memref<24x128xf32, #tpu.memory_space<hbm>>
        tpu.enqueue_dma source(%dma_start3A_99 : memref<24x128xf32, #tpu.memory_space<hbm>>) target(%dma_start3A_97 : memref<24x128xf32, #tpu.memory_space<vmem>>) target_semaphore(%run_scoped3A : memref<!tpu.dma_semaphore, #tpu.memory_space<semaphore_mem>>)
        %dma_wait3A_100 = arith.constant 0 : i32
        %dma_wait3A_101 = arith.constant 0 : i32
        %dma_wait3A_102 = tpu.memref_slice %arg6[%dma_wait3A_100, %dma_wait3A_101] : memref<24x128xf32, #tpu.memory_space<vmem>> -> memref<24x128xf32, #tpu.memory_space<vmem>>
        %dma_wait3A_103 = arith.constant 8 : i32
        %dma_wait3A_104 = tpu.memref_slice %arg2[%dma_wait3A_103, %multiple_of3A] : memref<51x1024xf32, #tpu.memory_space<hbm>> -> memref<24x128xf32, #tpu.memory_space<hbm>>
        %dma_wait3A_105 = arith.constant 0 : i32
        %dma_wait3A_106 = arith.constant 0 : i32
        %dma_wait3A_107 = tpu.memref_slice %arg6[%dma_wait3A_105, %dma_wait3A_106] : memref<24x128xf32, #tpu.memory_space<vmem>> -> memref<24x128xf32, #tpu.memory_space<vmem>>
        %dma_wait3A_108 = arith.constant 8 : i32
        %dma_wait3A_109 = tpu.memref_slice %arg2[%dma_wait3A_108, %multiple_of3A] : memref<51x1024xf32, #tpu.memory_space<hbm>> -> memref<24x128xf32, #tpu.memory_space<hbm>>
        tpu.wait_dma2 semaphore(%run_scoped3A : memref<!tpu.dma_semaphore, #tpu.memory_space<semaphore_mem>>) src(%dma_wait3A_109 : memref<24x128xf32, #tpu.memory_space<hbm>>) dst(%dma_wait3A_107 : memref<24x128xf32, #tpu.memory_space<vmem>>)
        tpu.yield
      }) : () -> ()
    } else {
    }
    %eq3A_26 = arith.constant 2 : i32
    %eq3A_27 = arith.cmpi eq, %div3A_1, %eq3A_26 : i32
    %convert_element_type3A_28 = arith.extui %eq3A_27 : i1 to i32
    %cond3A_29 = arith.constant 0 : i32
    %cond3A_30 = arith.cmpi ne, %convert_element_type3A_28, %cond3A_29 : i32
    scf.if %cond3A_30 {
      "tpu.region"() ({
        %run_scoped3A = tpu.sem_alloc : memref<!tpu.dma_semaphore, #tpu.memory_space<semaphore_mem>>
        %dma_start3A_90 = arith.constant 0 : i32
        %dma_start3A_91 = arith.constant 0 : i32
        %dma_start3A_92 = tpu.memref_slice %arg6[%dma_start3A_90, %dma_start3A_91] : memref<24x128xf32, #tpu.memory_space<vmem>> -> memref<16x128xf32, #tpu.memory_space<vmem>>
        %dma_start3A_93 = arith.constant 24 : i32
        %dma_start3A_94 = tpu.memref_slice %arg2[%dma_start3A_93, %multiple_of3A] : memref<51x1024xf32, #tpu.memory_space<hbm>> -> memref<16x128xf32, #tpu.memory_space<hbm>>
        %dma_start3A_95 = arith.constant 0 : i32
        %dma_start3A_96 = arith.constant 0 : i32
        %dma_start3A_97 = tpu.memref_slice %arg6[%dma_start3A_95, %dma_start3A_96] : memref<24x128xf32, #tpu.memory_space<vmem>> -> memref<16x128xf32, #tpu.memory_space<vmem>>
        %dma_start3A_98 = arith.constant 24 : i32
        %dma_start3A_99 = tpu.memref_slice %arg2[%dma_start3A_98, %multiple_of3A] : memref<51x1024xf32, #tpu.memory_space<hbm>> -> memref<16x128xf32, #tpu.memory_space<hbm>>
        tpu.enqueue_dma source(%dma_start3A_99 : memref<16x128xf32, #tpu.memory_space<hbm>>) target(%dma_start3A_97 : memref<16x128xf32, #tpu.memory_space<vmem>>) target_semaphore(%run_scoped3A : memref<!tpu.dma_semaphore, #tpu.memory_space<semaphore_mem>>)
        %dma_wait3A_100 = arith.constant 0 : i32
        %dma_wait3A_101 = arith.constant 0 : i32
        %dma_wait3A_102 = tpu.memref_slice %arg6[%dma_wait3A_100, %dma_wait3A_101] : memref<24x128xf32, #tpu.memory_space<vmem>> -> memref<16x128xf32, #tpu.memory_space<vmem>>
        %dma_wait3A_103 = arith.constant 24 : i32
        %dma_wait3A_104 = tpu.memref_slice %arg2[%dma_wait3A_103, %multiple_of3A] : memref<51x1024xf32, #tpu.memory_space<hbm>> -> memref<16x128xf32, #tpu.memory_space<hbm>>
        %dma_wait3A_105 = arith.constant 0 : i32
        %dma_wait3A_106 = arith.constant 0 : i32
        %dma_wait3A_107 = tpu.memref_slice %arg6[%dma_wait3A_105, %dma_wait3A_106] : memref<24x128xf32, #tpu.memory_space<vmem>> -> memref<16x128xf32, #tpu.memory_space<vmem>>
        %dma_wait3A_108 = arith.constant 24 : i32
        %dma_wait3A_109 = tpu.memref_slice %arg2[%dma_wait3A_108, %multiple_of3A] : memref<51x1024xf32, #tpu.memory_space<hbm>> -> memref<16x128xf32, #tpu.memory_space<hbm>>
        tpu.wait_dma2 semaphore(%run_scoped3A : memref<!tpu.dma_semaphore, #tpu.memory_space<semaphore_mem>>) src(%dma_wait3A_109 : memref<16x128xf32, #tpu.memory_space<hbm>>) dst(%dma_wait3A_107 : memref<16x128xf32, #tpu.memory_space<vmem>>)
        tpu.yield
      }) : () -> ()
    } else {
    }
    %eq3A_31 = arith.constant 3 : i32
    %eq3A_32 = arith.cmpi eq, %div3A_1, %eq3A_31 : i32
    %convert_element_type3A_33 = arith.extui %eq3A_32 : i1 to i32
    %cond3A_34 = arith.constant 0 : i32
    %cond3A_35 = arith.cmpi ne, %convert_element_type3A_33, %cond3A_34 : i32
    scf.if %cond3A_35 {
      "tpu.region"() ({
        %run_scoped3A = tpu.sem_alloc : memref<!tpu.dma_semaphore, #tpu.memory_space<semaphore_mem>>
        %dma_start3A_90 = arith.constant 0 : i32
        %dma_start3A_91 = arith.constant 0 : i32
        %dma_start3A_92 = tpu.memref_slice %arg6[%dma_start3A_90, %dma_start3A_91] : memref<24x128xf32, #tpu.memory_space<vmem>> -> memref<19x128xf32, #tpu.memory_space<vmem>>
        %dma_start3A_93 = arith.constant 32 : i32
        %dma_start3A_94 = tpu.memref_slice %arg2[%dma_start3A_93, %multiple_of3A] : memref<51x1024xf32, #tpu.memory_space<hbm>> -> memref<19x128xf32, #tpu.memory_space<hbm>>
        %dma_start3A_95 = arith.constant 0 : i32
        %dma_start3A_96 = arith.constant 0 : i32
        %dma_start3A_97 = tpu.memref_slice %arg6[%dma_start3A_95, %dma_start3A_96] : memref<24x128xf32, #tpu.memory_space<vmem>> -> memref<19x128xf32, #tpu.memory_space<vmem>>
        %dma_start3A_98 = arith.constant 32 : i32
        %dma_start3A_99 = tpu.memref_slice %arg2[%dma_start3A_98, %multiple_of3A] : memref<51x1024xf32, #tpu.memory_space<hbm>> -> memref<19x128xf32, #tpu.memory_space<hbm>>
        tpu.enqueue_dma source(%dma_start3A_99 : memref<19x128xf32, #tpu.memory_space<hbm>>) target(%dma_start3A_97 : memref<19x128xf32, #tpu.memory_space<vmem>>) target_semaphore(%run_scoped3A : memref<!tpu.dma_semaphore, #tpu.memory_space<semaphore_mem>>)
        %dma_wait3A_100 = arith.constant 0 : i32
        %dma_wait3A_101 = arith.constant 0 : i32
        %dma_wait3A_102 = tpu.memref_slice %arg6[%dma_wait3A_100, %dma_wait3A_101] : memref<24x128xf32, #tpu.memory_space<vmem>> -> memref<19x128xf32, #tpu.memory_space<vmem>>
        %dma_wait3A_103 = arith.constant 32 : i32
        %dma_wait3A_104 = tpu.memref_slice %arg2[%dma_wait3A_103, %multiple_of3A] : memref<51x1024xf32, #tpu.memory_space<hbm>> -> memref<19x128xf32, #tpu.memory_space<hbm>>
        %dma_wait3A_105 = arith.constant 0 : i32
        %dma_wait3A_106 = arith.constant 0 : i32
        %dma_wait3A_107 = tpu.memref_slice %arg6[%dma_wait3A_105, %dma_wait3A_106] : memref<24x128xf32, #tpu.memory_space<vmem>> -> memref<19x128xf32, #tpu.memory_space<vmem>>
        %dma_wait3A_108 = arith.constant 32 : i32
        %dma_wait3A_109 = tpu.memref_slice %arg2[%dma_wait3A_108, %multiple_of3A] : memref<51x1024xf32, #tpu.memory_space<hbm>> -> memref<19x128xf32, #tpu.memory_space<hbm>>
        tpu.wait_dma2 semaphore(%run_scoped3A : memref<!tpu.dma_semaphore, #tpu.memory_space<semaphore_mem>>) src(%dma_wait3A_109 : memref<19x128xf32, #tpu.memory_space<hbm>>) dst(%dma_wait3A_107 : memref<19x128xf32, #tpu.memory_space<vmem>>)
        tpu.yield
      }) : () -> ()
    } else {
    }
    %scan3A = arith.constant 0 : i32
    %scan3A_36 = arith.constant 0 : i32
    %scan3A_37 = arith.constant 104 : i32
    %scan3A_38 = arith.addi %scan3A_36, %scan3A_37 : i32
    %scan3A_39 = arith.constant 2 : i32
    scf.for %scan3A_90 = %scan3A_36 to %scan3A_38 step %scan3A_39  : i32 {
      %div3A_91 = arith.constant 8 : i32
      %div3A_92 = arith.divsi %scan3A_90, %div3A_91 : i32
      %sub3A_93 = arith.constant 1 : i32
      %sub3A_94 = arith.subi %sub3A_15, %sub3A_93 : i32
      %min3A = arith.minsi %div3A_92, %sub3A_94 : i32
      %div3A_95 = arith.constant 8 : i32
      %div3A_96 = arith.divsi %scan3A_90, %div3A_95 : i32
      %mul3A_97 = arith.constant 8 : i32
      %mul3A_98 = arith.muli %div3A_96, %mul3A_97 : i32
      %sub3A_99 = arith.subi %scan3A_90, %mul3A_98 : i32
      %add3A_100 = arith.addi %sub3A_13, %min3A : i32
      %sub3A_101 = arith.subi %add3A_100, %mul3A_18 : i32
      %mul3A_102 = arith.constant 16 : i32
      %mul3A_103 = arith.muli %sub3A_99, %mul3A_102 : i32
      %get3A = arith.index_cast %sub3A_101 : i32 to index
      %get3A_104 = arith.index_cast %mul3A_103 : i32 to index
      %get3A_105 = tpu.vector_load %arg6[%get3A, %get3A_104] {strides = array<i32>} : memref<24x128xf32, #tpu.memory_space<vmem>>, vector<16xf32>,
      %div3A_106 = arith.constant 1.000000e-03 : f32
      %div3A_107 = vector.broadcast %div3A_106 : f32 to vector<16xf32>
      %div3A_108 = arith.divf %get3A_105, %div3A_107 : vector<16xf32>
      %convert_element_type3A_109 = arith.fptosi %div3A_108 : vector<16xf32> to vector<16xi32>
      %max3A = arith.constant 0 : i32
      %max3A_110 = vector.broadcast %max3A : i32 to vector<16xi32>
      %max3A_111 = arith.maxsi %convert_element_type3A_109, %max3A_110 : vector<16xi32>
      %min3A_112 = arith.constant 999 : i32
      %min3A_113 = vector.broadcast %min3A_112 : i32 to vector<16xi32>
      %min3A_114 = arith.minsi %max3A_111, %min3A_113 : vector<16xi32>
      %mul3A_115 = arith.constant 16 : i32
      %mul3A_116 = arith.muli %scan3A_90, %mul3A_115 : i32
      %swap3A = arith.index_cast %mul3A_116 : i32 to index
      %swap3A_117 = tpu.vector_load %arg9[%swap3A] {strides = array<i32>} : memref<1664xi32, #tpu.memory_space<vmem>>, vector<16xi32>,
      tpu.vector_store %arg9[%swap3A], %min3A_114 {strides = array<i32>} : memref<1664xi32, #tpu.memory_space<vmem>>, vector<16xi32>,
      %scan3A_118 = arith.constant 1 : i32
      %scan3A_119 = arith.addi %scan3A_90, %scan3A_118 : i32
      %div3A_120 = arith.constant 8 : i32
      %div3A_121 = arith.divsi %scan3A_119, %div3A_120 : i32
      %sub3A_122 = arith.constant 1 : i32
      %sub3A_123 = arith.subi %sub3A_15, %sub3A_122 : i32
      %min3A_124 = arith.minsi %div3A_121, %sub3A_123 : i32
      %div3A_125 = arith.constant 8 : i32
      %div3A_126 = arith.divsi %scan3A_119, %div3A_125 : i32
      %mul3A_127 = arith.constant 8 : i32
      %mul3A_128 = arith.muli %div3A_126, %mul3A_127 : i32
      %sub3A_129 = arith.subi %scan3A_119, %mul3A_128 : i32
      %add3A_130 = arith.addi %sub3A_13, %min3A_124 : i32
      %sub3A_131 = arith.subi %add3A_130, %mul3A_18 : i32
      %mul3A_132 = arith.constant 16 : i32
      %mul3A_133 = arith.muli %sub3A_129, %mul3A_132 : i32
      %get3A_134 = arith.index_cast %sub3A_131 : i32 to index
      %get3A_135 = arith.index_cast %mul3A_133 : i32 to index
      %get3A_136 = tpu.vector_load %arg6[%get3A_134, %get3A_135] {strides = array<i32>} : memref<24x128xf32, #tpu.memory_space<vmem>>, vector<16xf32>,
      %div3A_137 = arith.constant 1.000000e-03 : f32
      %div3A_138 = vector.broadcast %div3A_137 : f32 to vector<16xf32>
      %div3A_139 = arith.divf %get3A_136, %div3A_138 : vector<16xf32>
      %convert_element_type3A_140 = arith.fptosi %div3A_139 : vector<16xf32> to vector<16xi32>
      %max3A_141 = arith.constant 0 : i32
      %max3A_142 = vector.broadcast %max3A_141 : i32 to vector<16xi32>
      %max3A_143 = arith.maxsi %convert_element_type3A_140, %max3A_142 : vector<16xi32>
      %min3A_144 = arith.constant 999 : i32
      %min3A_145 = vector.broadcast %min3A_144 : i32 to vector<16xi32>
      %min3A_146 = arith.minsi %max3A_143, %min3A_145 : vector<16xi32>
      %mul3A_147 = arith.constant 16 : i32
      %mul3A_148 = arith.muli %scan3A_119, %mul3A_147 : i32
      %swap3A_149 = arith.index_cast %mul3A_148 : i32 to index
      %swap3A_150 = tpu.vector_load %arg9[%swap3A_149] {strides = array<i32>} : memref<1664xi32, #tpu.memory_space<vmem>>, vector<16xi32>,
      tpu.vector_store %arg9[%swap3A_149], %min3A_146 {strides = array<i32>} : memref<1664xi32, #tpu.memory_space<vmem>>, vector<16xi32>,
    }
    %scan3A_40 = arith.constant 104 : i32
    tpu.wait_dma2 semaphore(%arg10 : memref<!tpu.dma_semaphore, #tpu.memory_space<semaphore_mem>>) src(%arg3 : memref<8000xf32, #tpu.memory_space<hbm>>) dst(%arg7 : memref<8000xf32, #tpu.memory_space<vmem>>)
    %scan3A_41 = arith.constant 0 : i32
    %scan3A_42 = arith.constant 0 : i32
    %scan3A_43 = arith.constant 48 : i32
    %scan3A_44 = arith.addi %scan3A_42, %scan3A_43 : i32
    %scan3A_45 = arith.constant 2 : i32
    scf.for %scan3A_90 = %scan3A_42 to %scan3A_44 step %scan3A_45  : i32 {
      %div3A_91 = arith.constant 8 : i32
      %div3A_92 = arith.divsi %scan3A_90, %div3A_91 : i32
      %sub3A_93 = arith.constant 1 : i32
      %sub3A_94 = arith.subi %sub3A_15, %sub3A_93 : i32
      %min3A = arith.minsi %div3A_92, %sub3A_94 : i32
      %div3A_95 = arith.constant 8 : i32
      %div3A_96 = arith.divsi %scan3A_90, %div3A_95 : i32
      %mul3A_97 = arith.constant 8 : i32
      %mul3A_98 = arith.muli %div3A_96, %mul3A_97 : i32
      %sub3A_99 = arith.subi %scan3A_90, %mul3A_98 : i32
      %mul3A_100 = arith.constant 16 : i32
      %mul3A_101 = arith.muli %sub3A_99, %mul3A_100 : i32
      %mul3A_102 = arith.constant 16 : i32
      %mul3A_103 = arith.muli %scan3A_90, %mul3A_102 : i32
      %get3A = arith.index_cast %mul3A_103 : i32 to index
      %get3A_104 = tpu.vector_load %arg9[%get3A] {strides = array<i32>} : memref<1664xi32, #tpu.memory_space<vmem>>, vector<16xi32>,
      %mul3A_105 = arith.constant 8 : i32
      %mul3A_106 = arith.muli %min3A, %mul3A_105 : i32
      %gather3A = arith.constant 0 : i32
      %gather3A_107 = tpu.memref_slice %arg7[%gather3A] : memref<8000xf32, #tpu.memory_space<vmem>> -> memref<1000xf32, #tpu.memory_space<vmem>>
      %gather3A_108 = tpu.vector_load_idx %gather3A_107[%get3A_104] : memref<1000xf32, #tpu.memory_space<vmem>>[vector<16xi32>], vector<16xf32>,
      %add3A_109 = arith.constant 0 : i32
      %add3A_110 = arith.addi %mul3A_106, %add3A_109 : i32
      %swap3A = arith.index_cast %add3A_110 : i32 to index
      %swap3A_111 = arith.index_cast %mul3A_101 : i32 to index
      %swap3A_112 = tpu.vector_load %arg8[%swap3A, %swap3A_111] {strides = array<i32>} : memref<104x128xf32, #tpu.memory_space<vmem>>, vector<16xf32>,
      tpu.vector_store %arg8[%swap3A, %swap3A_111], %gather3A_108 {strides = array<i32>} : memref<104x128xf32, #tpu.memory_space<vmem>>, vector<16xf32>,
      %gather3A_113 = arith.constant 1000 : i32
      %gather3A_114 = tpu.memref_slice %arg7[%gather3A_113] : memref<8000xf32, #tpu.memory_space<vmem>> -> memref<1000xf32, #tpu.memory_space<vmem>>
      %gather3A_115 = tpu.vector_load_idx %gather3A_114[%get3A_104] : memref<1000xf32, #tpu.memory_space<vmem>>[vector<16xi32>], vector<16xf32>,
      %add3A_116 = arith.constant 1 : i32
      %add3A_117 = arith.addi %mul3A_106, %add3A_116 : i32
      %swap3A_118 = arith.index_cast %add3A_117 : i32 to index
      %swap3A_119 = arith.index_cast %mul3A_101 : i32 to index
      %swap3A_120 = tpu.vector_load %arg8[%swap3A_118, %swap3A_119] {strides = array<i32>} : memref<104x128xf32, #tpu.memory_space<vmem>>, vector<16xf32>,
      tpu.vector_store %arg8[%swap3A_118, %swap3A_119], %gather3A_115 {strides = array<i32>} : memref<104x128xf32, #tpu.memory_space<vmem>>, vector<16xf32>,
      %gather3A_121 = arith.constant 2000 : i32
      %gather3A_122 = tpu.memref_slice %arg7[%gather3A_121] : memref<8000xf32, #tpu.memory_space<vmem>> -> memref<1000xf32, #tpu.memory_space<vmem>>
      %gather3A_123 = tpu.vector_load_idx %gather3A_122[%get3A_104] : memref<1000xf32, #tpu.memory_space<vmem>>[vector<16xi32>], vector<16xf32>,
      %add3A_124 = arith.constant 2 : i32
      %add3A_125 = arith.addi %mul3A_106, %add3A_124 : i32
      %swap3A_126 = arith.index_cast %add3A_125 : i32 to index
      %swap3A_127 = arith.index_cast %mul3A_101 : i32 to index
      %swap3A_128 = tpu.vector_load %arg8[%swap3A_126, %swap3A_127] {strides = array<i32>} : memref<104x128xf32, #tpu.memory_space<vmem>>, vector<16xf32>,
      tpu.vector_store %arg8[%swap3A_126, %swap3A_127], %gather3A_123 {strides = array<i32>} : memref<104x128xf32, #tpu.memory_space<vmem>>, vector<16xf32>,
      %gather3A_129 = arith.constant 3000 : i32
      %gather3A_130 = tpu.memref_slice %arg7[%gather3A_129] : memref<8000xf32, #tpu.memory_space<vmem>> -> memref<1000xf32, #tpu.memory_space<vmem>>
      %gather3A_131 = tpu.vector_load_idx %gather3A_130[%get3A_104] : memref<1000xf32, #tpu.memory_space<vmem>>[vector<16xi32>], vector<16xf32>,
      %add3A_132 = arith.constant 3 : i32
      %add3A_133 = arith.addi %mul3A_106, %add3A_132 : i32
      %swap3A_134 = arith.index_cast %add3A_133 : i32 to index
      %swap3A_135 = arith.index_cast %mul3A_101 : i32 to index
      %swap3A_136 = tpu.vector_load %arg8[%swap3A_134, %swap3A_135] {strides = array<i32>} : memref<104x128xf32, #tpu.memory_space<vmem>>, vector<16xf32>,
      tpu.vector_store %arg8[%swap3A_134, %swap3A_135], %gather3A_131 {strides = array<i32>} : memref<104x128xf32, #tpu.memory_space<vmem>>, vector<16xf32>,
      %gather3A_137 = arith.constant 4000 : i32
      %gather3A_138 = tpu.memref_slice %arg7[%gather3A_137] : memref<8000xf32, #tpu.memory_space<vmem>> -> memref<1000xf32, #tpu.memory_space<vmem>>
      %gather3A_139 = tpu.vector_load_idx %gather3A_138[%get3A_104] : memref<1000xf32, #tpu.memory_space<vmem>>[vector<16xi32>], vector<16xf32>,
      %add3A_140 = arith.constant 4 : i32
      %add3A_141 = arith.addi %mul3A_106, %add3A_140 : i32
      %swap3A_142 = arith.index_cast %add3A_141 : i32 to index
      %swap3A_143 = arith.index_cast %mul3A_101 : i32 to index
      %swap3A_144 = tpu.vector_load %arg8[%swap3A_142, %swap3A_143] {strides = array<i32>} : memref<104x128xf32, #tpu.memory_space<vmem>>, vector<16xf32>,
      tpu.vector_store %arg8[%swap3A_142, %swap3A_143], %gather3A_139 {strides = array<i32>} : memref<104x128xf32, #tpu.memory_space<vmem>>, vector<16xf32>,
      %gather3A_145 = arith.constant 5000 : i32
      %gather3A_146 = tpu.memref_slice %arg7[%gather3A_145] : memref<8000xf32, #tpu.memory_space<vmem>> -> memref<1000xf32, #tpu.memory_space<vmem>>
      %gather3A_147 = tpu.vector_load_idx %gather3A_146[%get3A_104] : memref<1000xf32, #tpu.memory_space<vmem>>[vector<16xi32>], vector<16xf32>,
      %add3A_148 = arith.constant 5 : i32
      %add3A_149 = arith.addi %mul3A_106, %add3A_148 : i32
      %swap3A_150 = arith.index_cast %add3A_149 : i32 to index
      %swap3A_151 = arith.index_cast %mul3A_101 : i32 to index
      %swap3A_152 = tpu.vector_load %arg8[%swap3A_150, %swap3A_151] {strides = array<i32>} : memref<104x128xf32, #tpu.memory_space<vmem>>, vector<16xf32>,
      tpu.vector_store %arg8[%swap3A_150, %swap3A_151], %gather3A_147 {strides = array<i32>} : memref<104x128xf32, #tpu.memory_space<vmem>>, vector<16xf32>,
      %gather3A_153 = arith.constant 6000 : i32
      %gather3A_154 = tpu.memref_slice %arg7[%gather3A_153] : memref<8000xf32, #tpu.memory_space<vmem>> -> memref<1000xf32, #tpu.memory_space<vmem>>
      %gather3A_155 = tpu.vector_load_idx %gather3A_154[%get3A_104] : memref<1000xf32, #tpu.memory_space<vmem>>[vector<16xi32>], vector<16xf32>,
      %add3A_156 = arith.constant 6 : i32
      %add3A_157 = arith.addi %mul3A_106, %add3A_156 : i32
      %swap3A_158 = arith.index_cast %add3A_157 : i32 to index
      %swap3A_159 = arith.index_cast %mul3A_101 : i32 to index
      %swap3A_160 = tpu.vector_load %arg8[%swap3A_158, %swap3A_159] {strides = array<i32>} : memref<104x128xf32, #tpu.memory_space<vmem>>, vector<16xf32>,
      tpu.vector_store %arg8[%swap3A_158, %swap3A_159], %gather3A_155 {strides = array<i32>} : memref<104x128xf32, #tpu.memory_space<vmem>>, vector<16xf32>,
      %gather3A_161 = arith.constant 7000 : i32
      %gather3A_162 = tpu.memref_slice %arg7[%gather3A_161] : memref<8000xf32, #tpu.memory_space<vmem>> -> memref<1000xf32, #tpu.memory_space<vmem>>
      %gather3A_163 = tpu.vector_load_idx %gather3A_162[%get3A_104] : memref<1000xf32, #tpu.memory_space<vmem>>[vector<16xi32>], vector<16xf32>,
      %add3A_164 = arith.constant 7 : i32
      %add3A_165 = arith.addi %mul3A_106, %add3A_164 : i32
      %swap3A_166 = arith.index_cast %add3A_165 : i32 to index
      %swap3A_167 = arith.index_cast %mul3A_101 : i32 to index
      %swap3A_168 = tpu.vector_load %arg8[%swap3A_166, %swap3A_167] {strides = array<i32>} : memref<104x128xf32, #tpu.memory_space<vmem>>, vector<16xf32>,
      tpu.vector_store %arg8[%swap3A_166, %swap3A_167], %gather3A_163 {strides = array<i32>} : memref<104x128xf32, #tpu.memory_space<vmem>>, vector<16xf32>,
      %scan3A_169 = arith.constant 1 : i32
      %scan3A_170 = arith.addi %scan3A_90, %scan3A_169 : i32
      %div3A_171 = arith.constant 8 : i32
      %div3A_172 = arith.divsi %scan3A_170, %div3A_171 : i32
      %sub3A_173 = arith.constant 1 : i32
      %sub3A_174 = arith.subi %sub3A_15, %sub3A_173 : i32
      %min3A_175 = arith.minsi %div3A_172, %sub3A_174 : i32
      %div3A_176 = arith.constant 8 : i32
      %div3A_177 = arith.divsi %scan3A_170, %div3A_176 : i32
      %mul3A_178 = arith.constant 8 : i32
      %mul3A_179 = arith.muli %div3A_177, %mul3A_178 : i32
      %sub3A_180 = arith.subi %scan3A_170, %mul3A_179 : i32
      %mul3A_181 = arith.constant 16 : i32
      %mul3A_182 = arith.muli %sub3A_180, %mul3A_181 : i32
      %mul3A_183 = arith.constant 16 : i32
      %mul3A_184 = arith.muli %scan3A_170, %mul3A_183 : i32
      %get3A_185 = arith.index_cast %mul3A_184 : i32 to index
      %get3A_186 = tpu.vector_load %arg9[%get3A_185] {strides = array<i32>} : memref<1664xi32, #tpu.memory_space<vmem>>, vector<16xi32>,
      %mul3A_187 = arith.constant 8 : i32
      %mul3A_188 = arith.muli %min3A_175, %mul3A_187 : i32
      %gather3A_189 = arith.constant 0 : i32
      %gather3A_190 = tpu.memref_slice %arg7[%gather3A_189] : memref<8000xf32, #tpu.memory_space<vmem>> -> memref<1000xf32, #tpu.memory_space<vmem>>
      %gather3A_191 = tpu.vector_load_idx %gather3A_190[%get3A_186] : memref<1000xf32, #tpu.memory_space<vmem>>[vector<16xi32>], vector<16xf32>,
      %add3A_192 = arith.constant 0 : i32
      %add3A_193 = arith.addi %mul3A_188, %add3A_192 : i32
      %swap3A_194 = arith.index_cast %add3A_193 : i32 to index
      %swap3A_195 = arith.index_cast %mul3A_182 : i32 to index
      %swap3A_196 = tpu.vector_load %arg8[%swap3A_194, %swap3A_195] {strides = array<i32>} : memref<104x128xf32, #tpu.memory_space<vmem>>, vector<16xf32>,
      tpu.vector_store %arg8[%swap3A_194, %swap3A_195], %gather3A_191 {strides = array<i32>} : memref<104x128xf32, #tpu.memory_space<vmem>>, vector<16xf32>,
      %gather3A_197 = arith.constant 1000 : i32
      %gather3A_198 = tpu.memref_slice %arg7[%gather3A_197] : memref<8000xf32, #tpu.memory_space<vmem>> -> memref<1000xf32, #tpu.memory_space<vmem>>
      %gather3A_199 = tpu.vector_load_idx %gather3A_198[%get3A_186] : memref<1000xf32, #tpu.memory_space<vmem>>[vector<16xi32>], vector<16xf32>,
      %add3A_200 = arith.constant 1 : i32
      %add3A_201 = arith.addi %mul3A_188, %add3A_200 : i32
      %swap3A_202 = arith.index_cast %add3A_201 : i32 to index
      %swap3A_203 = arith.index_cast %mul3A_182 : i32 to index
      %swap3A_204 = tpu.vector_load %arg8[%swap3A_202, %swap3A_203] {strides = array<i32>} : memref<104x128xf32, #tpu.memory_space<vmem>>, vector<16xf32>,
      tpu.vector_store %arg8[%swap3A_202, %swap3A_203], %gather3A_199 {strides = array<i32>} : memref<104x128xf32, #tpu.memory_space<vmem>>, vector<16xf32>,
      %gather3A_205 = arith.constant 2000 : i32
      %gather3A_206 = tpu.memref_slice %arg7[%gather3A_205] : memref<8000xf32, #tpu.memory_space<vmem>> -> memref<1000xf32, #tpu.memory_space<vmem>>
      %gather3A_207 = tpu.vector_load_idx %gather3A_206[%get3A_186] : memref<1000xf32, #tpu.memory_space<vmem>>[vector<16xi32>], vector<16xf32>,
      %add3A_208 = arith.constant 2 : i32
      %add3A_209 = arith.addi %mul3A_188, %add3A_208 : i32
      %swap3A_210 = arith.index_cast %add3A_209 : i32 to index
      %swap3A_211 = arith.index_cast %mul3A_182 : i32 to index
      %swap3A_212 = tpu.vector_load %arg8[%swap3A_210, %swap3A_211] {strides = array<i32>} : memref<104x128xf32, #tpu.memory_space<vmem>>, vector<16xf32>,
      tpu.vector_store %arg8[%swap3A_210, %swap3A_211], %gather3A_207 {strides = array<i32>} : memref<104x128xf32, #tpu.memory_space<vmem>>, vector<16xf32>,
      %gather3A_213 = arith.constant 3000 : i32
      %gather3A_214 = tpu.memref_slice %arg7[%gather3A_213] : memref<8000xf32, #tpu.memory_space<vmem>> -> memref<1000xf32, #tpu.memory_space<vmem>>
      %gather3A_215 = tpu.vector_load_idx %gather3A_214[%get3A_186] : memref<1000xf32, #tpu.memory_space<vmem>>[vector<16xi32>], vector<16xf32>,
      %add3A_216 = arith.constant 3 : i32
      %add3A_217 = arith.addi %mul3A_188, %add3A_216 : i32
      %swap3A_218 = arith.index_cast %add3A_217 : i32 to index
      %swap3A_219 = arith.index_cast %mul3A_182 : i32 to index
      %swap3A_220 = tpu.vector_load %arg8[%swap3A_218, %swap3A_219] {strides = array<i32>} : memref<104x128xf32, #tpu.memory_space<vmem>>, vector<16xf32>,
      tpu.vector_store %arg8[%swap3A_218, %swap3A_219], %gather3A_215 {strides = array<i32>} : memref<104x128xf32, #tpu.memory_space<vmem>>, vector<16xf32>,
      %gather3A_221 = arith.constant 4000 : i32
      %gather3A_222 = tpu.memref_slice %arg7[%gather3A_221] : memref<8000xf32, #tpu.memory_space<vmem>> -> memref<1000xf32, #tpu.memory_space<vmem>>
      %gather3A_223 = tpu.vector_load_idx %gather3A_222[%get3A_186] : memref<1000xf32, #tpu.memory_space<vmem>>[vector<16xi32>], vector<16xf32>,
      %add3A_224 = arith.constant 4 : i32
      %add3A_225 = arith.addi %mul3A_188, %add3A_224 : i32
      %swap3A_226 = arith.index_cast %add3A_225 : i32 to index
      %swap3A_227 = arith.index_cast %mul3A_182 : i32 to index
      %swap3A_228 = tpu.vector_load %arg8[%swap3A_226, %swap3A_227] {strides = array<i32>} : memref<104x128xf32, #tpu.memory_space<vmem>>, vector<16xf32>,
      tpu.vector_store %arg8[%swap3A_226, %swap3A_227], %gather3A_223 {strides = array<i32>} : memref<104x128xf32, #tpu.memory_space<vmem>>, vector<16xf32>,
      %gather3A_229 = arith.constant 5000 : i32
      %gather3A_230 = tpu.memref_slice %arg7[%gather3A_229] : memref<8000xf32, #tpu.memory_space<vmem>> -> memref<1000xf32, #tpu.memory_space<vmem>>
      %gather3A_231 = tpu.vector_load_idx %gather3A_230[%get3A_186] : memref<1000xf32, #tpu.memory_space<vmem>>[vector<16xi32>], vector<16xf32>,
      %add3A_232 = arith.constant 5 : i32
      %add3A_233 = arith.addi %mul3A_188, %add3A_232 : i32
      %swap3A_234 = arith.index_cast %add3A_233 : i32 to index
      %swap3A_235 = arith.index_cast %mul3A_182 : i32 to index
      %swap3A_236 = tpu.vector_load %arg8[%swap3A_234, %swap3A_235] {strides = array<i32>} : memref<104x128xf32, #tpu.memory_space<vmem>>, vector<16xf32>,
      tpu.vector_store %arg8[%swap3A_234, %swap3A_235], %gather3A_231 {strides = array<i32>} : memref<104x128xf32, #tpu.memory_space<vmem>>, vector<16xf32>,
      %gather3A_237 = arith.constant 6000 : i32
      %gather3A_238 = tpu.memref_slice %arg7[%gather3A_237] : memref<8000xf32, #tpu.memory_space<vmem>> -> memref<1000xf32, #tpu.memory_space<vmem>>
      %gather3A_239 = tpu.vector_load_idx %gather3A_238[%get3A_186] : memref<1000xf32, #tpu.memory_space<vmem>>[vector<16xi32>], vector<16xf32>,
      %add3A_240 = arith.constant 6 : i32
      %add3A_241 = arith.addi %mul3A_188, %add3A_240 : i32
      %swap3A_242 = arith.index_cast %add3A_241 : i32 to index
      %swap3A_243 = arith.index_cast %mul3A_182 : i32 to index
      %swap3A_244 = tpu.vector_load %arg8[%swap3A_242, %swap3A_243] {strides = array<i32>} : memref<104x128xf32, #tpu.memory_space<vmem>>, vector<16xf32>,
      tpu.vector_store %arg8[%swap3A_242, %swap3A_243], %gather3A_239 {strides = array<i32>} : memref<104x128xf32, #tpu.memory_space<vmem>>, vector<16xf32>,
      %gather3A_245 = arith.constant 7000 : i32
      %gather3A_246 = tpu.memref_slice %arg7[%gather3A_245] : memref<8000xf32, #tpu.memory_space<vmem>> -> memref<1000xf32, #tpu.memory_space<vmem>>
      %gather3A_247 = tpu.vector_load_idx %gather3A_246[%get3A_186] : memref<1000xf32, #tpu.memory_space<vmem>>[vector<16xi32>], vector<16xf32>,
      %add3A_248 = arith.constant 7 : i32
      %add3A_249 = arith.addi %mul3A_188, %add3A_248 : i32
      %swap3A_250 = arith.index_cast %add3A_249 : i32 to index
      %swap3A_251 = arith.index_cast %mul3A_182 : i32 to index
      %swap3A_252 = tpu.vector_load %arg8[%swap3A_250, %swap3A_251] {strides = array<i32>} : memref<104x128xf32, #tpu.memory_space<vmem>>, vector<16xf32>,
      tpu.vector_store %arg8[%swap3A_250, %swap3A_251], %gather3A_247 {strides = array<i32>} : memref<104x128xf32, #tpu.memory_space<vmem>>, vector<16xf32>,
    }
    %scan3A_46 = arith.constant 48 : i32
    %mul3A_47 = arith.constant 8 : i32
    %mul3A_48 = arith.muli %sub3A_13, %mul3A_47 : i32
    %multiple_of3A_49 = tpu.assume_multiple %mul3A_48, 8 : i32
    %dma_start3A = arith.constant 0 : i32
    %dma_start3A_50 = arith.constant 0 : i32
    %dma_start3A_51 = tpu.memref_slice %arg8[%dma_start3A, %dma_start3A_50] : memref<104x128xf32, #tpu.memory_space<vmem>> -> memref<48x128xf32, #tpu.memory_space<vmem>>
    %dma_start3A_52 = tpu.memref_slice %arg4[%multiple_of3A_49, %multiple_of3A] : memref<400x1024xf32, #tpu.memory_space<hbm>> -> memref<48x128xf32, #tpu.memory_space<hbm>>
    %dma_start3A_53 = tpu.memref_slice %arg4[%multiple_of3A_49, %multiple_of3A] : memref<400x1024xf32, #tpu.memory_space<hbm>> -> memref<48x128xf32, #tpu.memory_space<hbm>>
    %dma_start3A_54 = arith.constant 0 : i32
    %dma_start3A_55 = arith.constant 0 : i32
    %dma_start3A_56 = tpu.memref_slice %arg8[%dma_start3A_54, %dma_start3A_55] : memref<104x128xf32, #tpu.memory_space<vmem>> -> memref<48x128xf32, #tpu.memory_space<vmem>>
    tpu.enqueue_dma source(%dma_start3A_56 : memref<48x128xf32, #tpu.memory_space<vmem>>) target(%dma_start3A_53 : memref<48x128xf32, #tpu.memory_space<hbm>>) target_semaphore(%arg11 : memref<!tpu.dma_semaphore, #tpu.memory_space<semaphore_mem>>)
    %scan3A_57 = arith.constant 0 : i32
    %scan3A_58 = arith.constant 48 : i32
    %scan3A_59 = arith.constant 56 : i32
    %scan3A_60 = arith.addi %scan3A_58, %scan3A_59 : i32
    %scan3A_61 = arith.constant 2 : i32
    scf.for %scan3A_90 = %scan3A_58 to %scan3A_60 step %scan3A_61  : i32 {
      %div3A_91 = arith.constant 8 : i32
      %div3A_92 = arith.divsi %scan3A_90, %div3A_91 : i32
      %sub3A_93 = arith.constant 1 : i32
      %sub3A_94 = arith.subi %sub3A_15, %sub3A_93 : i32
      %min3A = arith.minsi %div3A_92, %sub3A_94 : i32
      %div3A_95 = arith.constant 8 : i32
      %div3A_96 = arith.divsi %scan3A_90, %div3A_95 : i32
      %mul3A_97 = arith.constant 8 : i32
      %mul3A_98 = arith.muli %div3A_96, %mul3A_97 : i32
      %sub3A_99 = arith.subi %scan3A_90, %mul3A_98 : i32
      %mul3A_100 = arith.constant 16 : i32
      %mul3A_101 = arith.muli %sub3A_99, %mul3A_100 : i32
      %mul3A_102 = arith.constant 16 : i32
      %mul3A_103 = arith.muli %scan3A_90, %mul3A_102 : i32
      %get3A = arith.index_cast %mul3A_103 : i32 to index
      %get3A_104 = tpu.vector_load %arg9[%get3A] {strides = array<i32>} : memref<1664xi32, #tpu.memory_space<vmem>>, vector<16xi32>,
      %mul3A_105 = arith.constant 8 : i32
      %mul3A_106 = arith.muli %min3A, %mul3A_105 : i32
      %gather3A = arith.constant 0 : i32
      %gather3A_107 = tpu.memref_slice %arg7[%gather3A] : memref<8000xf32, #tpu.memory_space<vmem>> -> memref<1000xf32, #tpu.memory_space<vmem>>
      %gather3A_108 = tpu.vector_load_idx %gather3A_107[%get3A_104] : memref<1000xf32, #tpu.memory_space<vmem>>[vector<16xi32>], vector<16xf32>,
      %add3A_109 = arith.constant 0 : i32
      %add3A_110 = arith.addi %mul3A_106, %add3A_109 : i32
      %swap3A = arith.index_cast %add3A_110 : i32 to index
      %swap3A_111 = arith.index_cast %mul3A_101 : i32 to index
      %swap3A_112 = tpu.vector_load %arg8[%swap3A, %swap3A_111] {strides = array<i32>} : memref<104x128xf32, #tpu.memory_space<vmem>>, vector<16xf32>,
      tpu.vector_store %arg8[%swap3A, %swap3A_111], %gather3A_108 {strides = array<i32>} : memref<104x128xf32, #tpu.memory_space<vmem>>, vector<16xf32>,
      %gather3A_113 = arith.constant 1000 : i32
      %gather3A_114 = tpu.memref_slice %arg7[%gather3A_113] : memref<8000xf32, #tpu.memory_space<vmem>> -> memref<1000xf32, #tpu.memory_space<vmem>>
      %gather3A_115 = tpu.vector_load_idx %gather3A_114[%get3A_104] : memref<1000xf32, #tpu.memory_space<vmem>>[vector<16xi32>], vector<16xf32>,
      %add3A_116 = arith.constant 1 : i32
      %add3A_117 = arith.addi %mul3A_106, %add3A_116 : i32
      %swap3A_118 = arith.index_cast %add3A_117 : i32 to index
      %swap3A_119 = arith.index_cast %mul3A_101 : i32 to index
      %swap3A_120 = tpu.vector_load %arg8[%swap3A_118, %swap3A_119] {strides = array<i32>} : memref<104x128xf32, #tpu.memory_space<vmem>>, vector<16xf32>,
      tpu.vector_store %arg8[%swap3A_118, %swap3A_119], %gather3A_115 {strides = array<i32>} : memref<104x128xf32, #tpu.memory_space<vmem>>, vector<16xf32>,
      %gather3A_121 = arith.constant 2000 : i32
      %gather3A_122 = tpu.memref_slice %arg7[%gather3A_121] : memref<8000xf32, #tpu.memory_space<vmem>> -> memref<1000xf32, #tpu.memory_space<vmem>>
      %gather3A_123 = tpu.vector_load_idx %gather3A_122[%get3A_104] : memref<1000xf32, #tpu.memory_space<vmem>>[vector<16xi32>], vector<16xf32>,
      %add3A_124 = arith.constant 2 : i32
      %add3A_125 = arith.addi %mul3A_106, %add3A_124 : i32
      %swap3A_126 = arith.index_cast %add3A_125 : i32 to index
      %swap3A_127 = arith.index_cast %mul3A_101 : i32 to index
      %swap3A_128 = tpu.vector_load %arg8[%swap3A_126, %swap3A_127] {strides = array<i32>} : memref<104x128xf32, #tpu.memory_space<vmem>>, vector<16xf32>,
      tpu.vector_store %arg8[%swap3A_126, %swap3A_127], %gather3A_123 {strides = array<i32>} : memref<104x128xf32, #tpu.memory_space<vmem>>, vector<16xf32>,
      %gather3A_129 = arith.constant 3000 : i32
      %gather3A_130 = tpu.memref_slice %arg7[%gather3A_129] : memref<8000xf32, #tpu.memory_space<vmem>> -> memref<1000xf32, #tpu.memory_space<vmem>>
      %gather3A_131 = tpu.vector_load_idx %gather3A_130[%get3A_104] : memref<1000xf32, #tpu.memory_space<vmem>>[vector<16xi32>], vector<16xf32>,
      %add3A_132 = arith.constant 3 : i32
      %add3A_133 = arith.addi %mul3A_106, %add3A_132 : i32
      %swap3A_134 = arith.index_cast %add3A_133 : i32 to index
      %swap3A_135 = arith.index_cast %mul3A_101 : i32 to index
      %swap3A_136 = tpu.vector_load %arg8[%swap3A_134, %swap3A_135] {strides = array<i32>} : memref<104x128xf32, #tpu.memory_space<vmem>>, vector<16xf32>,
      tpu.vector_store %arg8[%swap3A_134, %swap3A_135], %gather3A_131 {strides = array<i32>} : memref<104x128xf32, #tpu.memory_space<vmem>>, vector<16xf32>,
      %gather3A_137 = arith.constant 4000 : i32
      %gather3A_138 = tpu.memref_slice %arg7[%gather3A_137] : memref<8000xf32, #tpu.memory_space<vmem>> -> memref<1000xf32, #tpu.memory_space<vmem>>
      %gather3A_139 = tpu.vector_load_idx %gather3A_138[%get3A_104] : memref<1000xf32, #tpu.memory_space<vmem>>[vector<16xi32>], vector<16xf32>,
      %add3A_140 = arith.constant 4 : i32
      %add3A_141 = arith.addi %mul3A_106, %add3A_140 : i32
      %swap3A_142 = arith.index_cast %add3A_141 : i32 to index
      %swap3A_143 = arith.index_cast %mul3A_101 : i32 to index
      %swap3A_144 = tpu.vector_load %arg8[%swap3A_142, %swap3A_143] {strides = array<i32>} : memref<104x128xf32, #tpu.memory_space<vmem>>, vector<16xf32>,
      tpu.vector_store %arg8[%swap3A_142, %swap3A_143], %gather3A_139 {strides = array<i32>} : memref<104x128xf32, #tpu.memory_space<vmem>>, vector<16xf32>,
      %gather3A_145 = arith.constant 5000 : i32
      %gather3A_146 = tpu.memref_slice %arg7[%gather3A_145] : memref<8000xf32, #tpu.memory_space<vmem>> -> memref<1000xf32, #tpu.memory_space<vmem>>
      %gather3A_147 = tpu.vector_load_idx %gather3A_146[%get3A_104] : memref<1000xf32, #tpu.memory_space<vmem>>[vector<16xi32>], vector<16xf32>,
      %add3A_148 = arith.constant 5 : i32
      %add3A_149 = arith.addi %mul3A_106, %add3A_148 : i32
      %swap3A_150 = arith.index_cast %add3A_149 : i32 to index
      %swap3A_151 = arith.index_cast %mul3A_101 : i32 to index
      %swap3A_152 = tpu.vector_load %arg8[%swap3A_150, %swap3A_151] {strides = array<i32>} : memref<104x128xf32, #tpu.memory_space<vmem>>, vector<16xf32>,
      tpu.vector_store %arg8[%swap3A_150, %swap3A_151], %gather3A_147 {strides = array<i32>} : memref<104x128xf32, #tpu.memory_space<vmem>>, vector<16xf32>,
      %gather3A_153 = arith.constant 6000 : i32
      %gather3A_154 = tpu.memref_slice %arg7[%gather3A_153] : memref<8000xf32, #tpu.memory_space<vmem>> -> memref<1000xf32, #tpu.memory_space<vmem>>
      %gather3A_155 = tpu.vector_load_idx %gather3A_154[%get3A_104] : memref<1000xf32, #tpu.memory_space<vmem>>[vector<16xi32>], vector<16xf32>,
      %add3A_156 = arith.constant 6 : i32
      %add3A_157 = arith.addi %mul3A_106, %add3A_156 : i32
      %swap3A_158 = arith.index_cast %add3A_157 : i32 to index
      %swap3A_159 = arith.index_cast %mul3A_101 : i32 to index
      %swap3A_160 = tpu.vector_load %arg8[%swap3A_158, %swap3A_159] {strides = array<i32>} : memref<104x128xf32, #tpu.memory_space<vmem>>, vector<16xf32>,
      tpu.vector_store %arg8[%swap3A_158, %swap3A_159], %gather3A_155 {strides = array<i32>} : memref<104x128xf32, #tpu.memory_space<vmem>>, vector<16xf32>,
      %gather3A_161 = arith.constant 7000 : i32
      %gather3A_162 = tpu.memref_slice %arg7[%gather3A_161] : memref<8000xf32, #tpu.memory_space<vmem>> -> memref<1000xf32, #tpu.memory_space<vmem>>
      %gather3A_163 = tpu.vector_load_idx %gather3A_162[%get3A_104] : memref<1000xf32, #tpu.memory_space<vmem>>[vector<16xi32>], vector<16xf32>,
      %add3A_164 = arith.constant 7 : i32
      %add3A_165 = arith.addi %mul3A_106, %add3A_164 : i32
      %swap3A_166 = arith.index_cast %add3A_165 : i32 to index
      %swap3A_167 = arith.index_cast %mul3A_101 : i32 to index
      %swap3A_168 = tpu.vector_load %arg8[%swap3A_166, %swap3A_167] {strides = array<i32>} : memref<104x128xf32, #tpu.memory_space<vmem>>, vector<16xf32>,
      tpu.vector_store %arg8[%swap3A_166, %swap3A_167], %gather3A_163 {strides = array<i32>} : memref<104x128xf32, #tpu.memory_space<vmem>>, vector<16xf32>,
      %scan3A_169 = arith.constant 1 : i32
      %scan3A_170 = arith.addi %scan3A_90, %scan3A_169 : i32
      %div3A_171 = arith.constant 8 : i32
      %div3A_172 = arith.divsi %scan3A_170, %div3A_171 : i32
      %sub3A_173 = arith.constant 1 : i32
      %sub3A_174 = arith.subi %sub3A_15, %sub3A_173 : i32
      %min3A_175 = arith.minsi %div3A_172, %sub3A_174 : i32
      %div3A_176 = arith.constant 8 : i32
      %div3A_177 = arith.divsi %scan3A_170, %div3A_176 : i32
      %mul3A_178 = arith.constant 8 : i32
      %mul3A_179 = arith.muli %div3A_177, %mul3A_178 : i32
      %sub3A_180 = arith.subi %scan3A_170, %mul3A_179 : i32
      %mul3A_181 = arith.constant 16 : i32
      %mul3A_182 = arith.muli %sub3A_180, %mul3A_181 : i32
      %mul3A_183 = arith.constant 16 : i32
      %mul3A_184 = arith.muli %scan3A_170, %mul3A_183 : i32
      %get3A_185 = arith.index_cast %mul3A_184 : i32 to index
      %get3A_186 = tpu.vector_load %arg9[%get3A_185] {strides = array<i32>} : memref<1664xi32, #tpu.memory_space<vmem>>, vector<16xi32>,
      %mul3A_187 = arith.constant 8 : i32
      %mul3A_188 = arith.muli %min3A_175, %mul3A_187 : i32
      %gather3A_189 = arith.constant 0 : i32
      %gather3A_190 = tpu.memref_slice %arg7[%gather3A_189] : memref<8000xf32, #tpu.memory_space<vmem>> -> memref<1000xf32, #tpu.memory_space<vmem>>
      %gather3A_191 = tpu.vector_load_idx %gather3A_190[%get3A_186] : memref<1000xf32, #tpu.memory_space<vmem>>[vector<16xi32>], vector<16xf32>,
      %add3A_192 = arith.constant 0 : i32
      %add3A_193 = arith.addi %mul3A_188, %add3A_192 : i32
      %swap3A_194 = arith.index_cast %add3A_193 : i32 to index
      %swap3A_195 = arith.index_cast %mul3A_182 : i32 to index
      %swap3A_196 = tpu.vector_load %arg8[%swap3A_194, %swap3A_195] {strides = array<i32>} : memref<104x128xf32, #tpu.memory_space<vmem>>, vector<16xf32>,
      tpu.vector_store %arg8[%swap3A_194, %swap3A_195], %gather3A_191 {strides = array<i32>} : memref<104x128xf32, #tpu.memory_space<vmem>>, vector<16xf32>,
      %gather3A_197 = arith.constant 1000 : i32
      %gather3A_198 = tpu.memref_slice %arg7[%gather3A_197] : memref<8000xf32, #tpu.memory_space<vmem>> -> memref<1000xf32, #tpu.memory_space<vmem>>
      %gather3A_199 = tpu.vector_load_idx %gather3A_198[%get3A_186] : memref<1000xf32, #tpu.memory_space<vmem>>[vector<16xi32>], vector<16xf32>,
      %add3A_200 = arith.constant 1 : i32
      %add3A_201 = arith.addi %mul3A_188, %add3A_200 : i32
      %swap3A_202 = arith.index_cast %add3A_201 : i32 to index
      %swap3A_203 = arith.index_cast %mul3A_182 : i32 to index
      %swap3A_204 = tpu.vector_load %arg8[%swap3A_202, %swap3A_203] {strides = array<i32>} : memref<104x128xf32, #tpu.memory_space<vmem>>, vector<16xf32>,
      tpu.vector_store %arg8[%swap3A_202, %swap3A_203], %gather3A_199 {strides = array<i32>} : memref<104x128xf32, #tpu.memory_space<vmem>>, vector<16xf32>,
      %gather3A_205 = arith.constant 2000 : i32
      %gather3A_206 = tpu.memref_slice %arg7[%gather3A_205] : memref<8000xf32, #tpu.memory_space<vmem>> -> memref<1000xf32, #tpu.memory_space<vmem>>
      %gather3A_207 = tpu.vector_load_idx %gather3A_206[%get3A_186] : memref<1000xf32, #tpu.memory_space<vmem>>[vector<16xi32>], vector<16xf32>,
      %add3A_208 = arith.constant 2 : i32
      %add3A_209 = arith.addi %mul3A_188, %add3A_208 : i32
      %swap3A_210 = arith.index_cast %add3A_209 : i32 to index
      %swap3A_211 = arith.index_cast %mul3A_182 : i32 to index
      %swap3A_212 = tpu.vector_load %arg8[%swap3A_210, %swap3A_211] {strides = array<i32>} : memref<104x128xf32, #tpu.memory_space<vmem>>, vector<16xf32>,
      tpu.vector_store %arg8[%swap3A_210, %swap3A_211], %gather3A_207 {strides = array<i32>} : memref<104x128xf32, #tpu.memory_space<vmem>>, vector<16xf32>,
      %gather3A_213 = arith.constant 3000 : i32
      %gather3A_214 = tpu.memref_slice %arg7[%gather3A_213] : memref<8000xf32, #tpu.memory_space<vmem>> -> memref<1000xf32, #tpu.memory_space<vmem>>
      %gather3A_215 = tpu.vector_load_idx %gather3A_214[%get3A_186] : memref<1000xf32, #tpu.memory_space<vmem>>[vector<16xi32>], vector<16xf32>,
      %add3A_216 = arith.constant 3 : i32
      %add3A_217 = arith.addi %mul3A_188, %add3A_216 : i32
      %swap3A_218 = arith.index_cast %add3A_217 : i32 to index
      %swap3A_219 = arith.index_cast %mul3A_182 : i32 to index
      %swap3A_220 = tpu.vector_load %arg8[%swap3A_218, %swap3A_219] {strides = array<i32>} : memref<104x128xf32, #tpu.memory_space<vmem>>, vector<16xf32>,
      tpu.vector_store %arg8[%swap3A_218, %swap3A_219], %gather3A_215 {strides = array<i32>} : memref<104x128xf32, #tpu.memory_space<vmem>>, vector<16xf32>,
      %gather3A_221 = arith.constant 4000 : i32
      %gather3A_222 = tpu.memref_slice %arg7[%gather3A_221] : memref<8000xf32, #tpu.memory_space<vmem>> -> memref<1000xf32, #tpu.memory_space<vmem>>
      %gather3A_223 = tpu.vector_load_idx %gather3A_222[%get3A_186] : memref<1000xf32, #tpu.memory_space<vmem>>[vector<16xi32>], vector<16xf32>,
      %add3A_224 = arith.constant 4 : i32
      %add3A_225 = arith.addi %mul3A_188, %add3A_224 : i32
      %swap3A_226 = arith.index_cast %add3A_225 : i32 to index
      %swap3A_227 = arith.index_cast %mul3A_182 : i32 to index
      %swap3A_228 = tpu.vector_load %arg8[%swap3A_226, %swap3A_227] {strides = array<i32>} : memref<104x128xf32, #tpu.memory_space<vmem>>, vector<16xf32>,
      tpu.vector_store %arg8[%swap3A_226, %swap3A_227], %gather3A_223 {strides = array<i32>} : memref<104x128xf32, #tpu.memory_space<vmem>>, vector<16xf32>,
      %gather3A_229 = arith.constant 5000 : i32
      %gather3A_230 = tpu.memref_slice %arg7[%gather3A_229] : memref<8000xf32, #tpu.memory_space<vmem>> -> memref<1000xf32, #tpu.memory_space<vmem>>
      %gather3A_231 = tpu.vector_load_idx %gather3A_230[%get3A_186] : memref<1000xf32, #tpu.memory_space<vmem>>[vector<16xi32>], vector<16xf32>,
      %add3A_232 = arith.constant 5 : i32
      %add3A_233 = arith.addi %mul3A_188, %add3A_232 : i32
      %swap3A_234 = arith.index_cast %add3A_233 : i32 to index
      %swap3A_235 = arith.index_cast %mul3A_182 : i32 to index
      %swap3A_236 = tpu.vector_load %arg8[%swap3A_234, %swap3A_235] {strides = array<i32>} : memref<104x128xf32, #tpu.memory_space<vmem>>, vector<16xf32>,
      tpu.vector_store %arg8[%swap3A_234, %swap3A_235], %gather3A_231 {strides = array<i32>} : memref<104x128xf32, #tpu.memory_space<vmem>>, vector<16xf32>,
      %gather3A_237 = arith.constant 6000 : i32
      %gather3A_238 = tpu.memref_slice %arg7[%gather3A_237] : memref<8000xf32, #tpu.memory_space<vmem>> -> memref<1000xf32, #tpu.memory_space<vmem>>
      %gather3A_239 = tpu.vector_load_idx %gather3A_238[%get3A_186] : memref<1000xf32, #tpu.memory_space<vmem>>[vector<16xi32>], vector<16xf32>,
      %add3A_240 = arith.constant 6 : i32
      %add3A_241 = arith.addi %mul3A_188, %add3A_240 : i32
      %swap3A_242 = arith.index_cast %add3A_241 : i32 to index
      %swap3A_243 = arith.index_cast %mul3A_182 : i32 to index
      %swap3A_244 = tpu.vector_load %arg8[%swap3A_242, %swap3A_243] {strides = array<i32>} : memref<104x128xf32, #tpu.memory_space<vmem>>, vector<16xf32>,
      tpu.vector_store %arg8[%swap3A_242, %swap3A_243], %gather3A_239 {strides = array<i32>} : memref<104x128xf32, #tpu.memory_space<vmem>>, vector<16xf32>,
      %gather3A_245 = arith.constant 7000 : i32
      %gather3A_246 = tpu.memref_slice %arg7[%gather3A_245] : memref<8000xf32, #tpu.memory_space<vmem>> -> memref<1000xf32, #tpu.memory_space<vmem>>
      %gather3A_247 = tpu.vector_load_idx %gather3A_246[%get3A_186] : memref<1000xf32, #tpu.memory_space<vmem>>[vector<16xi32>], vector<16xf32>,
      %add3A_248 = arith.constant 7 : i32
      %add3A_249 = arith.addi %mul3A_188, %add3A_248 : i32
      %swap3A_250 = arith.index_cast %add3A_249 : i32 to index
      %swap3A_251 = arith.index_cast %mul3A_182 : i32 to index
      %swap3A_252 = tpu.vector_load %arg8[%swap3A_250, %swap3A_251] {strides = array<i32>} : memref<104x128xf32, #tpu.memory_space<vmem>>, vector<16xf32>,
      tpu.vector_store %arg8[%swap3A_250, %swap3A_251], %gather3A_247 {strides = array<i32>} : memref<104x128xf32, #tpu.memory_space<vmem>>, vector<16xf32>,
    }
    %scan3A_62 = arith.constant 56 : i32
    %eq3A_63 = arith.constant 0 : i32
    %eq3A_64 = arith.cmpi eq, %div3A_1, %eq3A_63 : i32
    %convert_element_type3A_65 = arith.extui %eq3A_64 : i1 to i32
    %cond3A_66 = arith.constant 0 : i32
    %cond3A_67 = arith.cmpi ne, %convert_element_type3A_65, %cond3A_66 : i32
    scf.if %cond3A_67 {
      "tpu.region"() ({
        %run_scoped3A = tpu.sem_alloc : memref<!tpu.dma_semaphore, #tpu.memory_space<semaphore_mem>>
        %dma_start3A_90 = arith.constant 48 : i32
        %dma_start3A_91 = arith.constant 0 : i32
        %dma_start3A_92 = tpu.memref_slice %arg8[%dma_start3A_90, %dma_start3A_91] : memref<104x128xf32, #tpu.memory_space<vmem>> -> memref<56x128xf32, #tpu.memory_space<vmem>>
        %dma_start3A_93 = arith.constant 48 : i32
        %dma_start3A_94 = tpu.memref_slice %arg4[%dma_start3A_93, %multiple_of3A] : memref<400x1024xf32, #tpu.memory_space<hbm>> -> memref<56x128xf32, #tpu.memory_space<hbm>>
        %dma_start3A_95 = arith.constant 48 : i32
        %dma_start3A_96 = tpu.memref_slice %arg4[%dma_start3A_95, %multiple_of3A] : memref<400x1024xf32, #tpu.memory_space<hbm>> -> memref<56x128xf32, #tpu.memory_space<hbm>>
        %dma_start3A_97 = arith.constant 48 : i32
        %dma_start3A_98 = arith.constant 0 : i32
        %dma_start3A_99 = tpu.memref_slice %arg8[%dma_start3A_97, %dma_start3A_98] : memref<104x128xf32, #tpu.memory_space<vmem>> -> memref<56x128xf32, #tpu.memory_space<vmem>>
        tpu.enqueue_dma source(%dma_start3A_99 : memref<56x128xf32, #tpu.memory_space<vmem>>) target(%dma_start3A_96 : memref<56x128xf32, #tpu.memory_space<hbm>>) target_semaphore(%run_scoped3A : memref<!tpu.dma_semaphore, #tpu.memory_space<semaphore_mem>>)
        %dma_wait3A_100 = arith.constant 48 : i32
        %dma_wait3A_101 = arith.constant 0 : i32
        %dma_wait3A_102 = tpu.memref_slice %arg8[%dma_wait3A_100, %dma_wait3A_101] : memref<104x128xf32, #tpu.memory_space<vmem>> -> memref<56x128xf32, #tpu.memory_space<vmem>>
        %dma_wait3A_103 = arith.constant 48 : i32
        %dma_wait3A_104 = tpu.memref_slice %arg4[%dma_wait3A_103, %multiple_of3A] : memref<400x1024xf32, #tpu.memory_space<hbm>> -> memref<56x128xf32, #tpu.memory_space<hbm>>
        %dma_wait3A_105 = arith.constant 48 : i32
        %dma_wait3A_106 = tpu.memref_slice %arg4[%dma_wait3A_105, %multiple_of3A] : memref<400x1024xf32, #tpu.memory_space<hbm>> -> memref<56x128xf32, #tpu.memory_space<hbm>>
        %dma_wait3A_107 = arith.constant 48 : i32
        %dma_wait3A_108 = arith.constant 0 : i32
        %dma_wait3A_109 = tpu.memref_slice %arg8[%dma_wait3A_107, %dma_wait3A_108] : memref<104x128xf32, #tpu.memory_space<vmem>> -> memref<56x128xf32, #tpu.memory_space<vmem>>
        tpu.wait_dma2 semaphore(%run_scoped3A : memref<!tpu.dma_semaphore, #tpu.memory_space<semaphore_mem>>) src(%dma_wait3A_109 : memref<56x128xf32, #tpu.memory_space<vmem>>) dst(%dma_wait3A_106 : memref<56x128xf32, #tpu.memory_space<hbm>>)
        tpu.yield
      }) : () -> ()
      "tpu.region"() ({
        %run_scoped3A = tpu.sem_alloc : memref<!tpu.dma_semaphore, #tpu.memory_space<semaphore_mem>>
        %dma_start3A_90 = arith.constant 0 : i32
        %dma_start3A_91 = arith.constant 0 : i32
        %dma_start3A_92 = tpu.memref_slice %arg6[%dma_start3A_90, %dma_start3A_91] : memref<24x128xf32, #tpu.memory_space<vmem>> -> memref<16x128xf32, #tpu.memory_space<vmem>>
        %dma_start3A_93 = arith.constant 0 : i32
        %dma_start3A_94 = tpu.memref_slice %arg5[%dma_start3A_93, %multiple_of3A] : memref<50x1024xf32, #tpu.memory_space<hbm>> -> memref<16x128xf32, #tpu.memory_space<hbm>>
        %dma_start3A_95 = arith.constant 0 : i32
        %dma_start3A_96 = tpu.memref_slice %arg5[%dma_start3A_95, %multiple_of3A] : memref<50x1024xf32, #tpu.memory_space<hbm>> -> memref<16x128xf32, #tpu.memory_space<hbm>>
        %dma_start3A_97 = arith.constant 0 : i32
        %dma_start3A_98 = arith.constant 0 : i32
        %dma_start3A_99 = tpu.memref_slice %arg6[%dma_start3A_97, %dma_start3A_98] : memref<24x128xf32, #tpu.memory_space<vmem>> -> memref<16x128xf32, #tpu.memory_space<vmem>>
        tpu.enqueue_dma source(%dma_start3A_99 : memref<16x128xf32, #tpu.memory_space<vmem>>) target(%dma_start3A_96 : memref<16x128xf32, #tpu.memory_space<hbm>>) target_semaphore(%run_scoped3A : memref<!tpu.dma_semaphore, #tpu.memory_space<semaphore_mem>>)
        %dma_wait3A_100 = arith.constant 0 : i32
        %dma_wait3A_101 = arith.constant 0 : i32
        %dma_wait3A_102 = tpu.memref_slice %arg6[%dma_wait3A_100, %dma_wait3A_101] : memref<24x128xf32, #tpu.memory_space<vmem>> -> memref<16x128xf32, #tpu.memory_space<vmem>>
        %dma_wait3A_103 = arith.constant 0 : i32
        %dma_wait3A_104 = tpu.memref_slice %arg5[%dma_wait3A_103, %multiple_of3A] : memref<50x1024xf32, #tpu.memory_space<hbm>> -> memref<16x128xf32, #tpu.memory_space<hbm>>
        %dma_wait3A_105 = arith.constant 0 : i32
        %dma_wait3A_106 = tpu.memref_slice %arg5[%dma_wait3A_105, %multiple_of3A] : memref<50x1024xf32, #tpu.memory_space<hbm>> -> memref<16x128xf32, #tpu.memory_space<hbm>>
        %dma_wait3A_107 = arith.constant 0 : i32
        %dma_wait3A_108 = arith.constant 0 : i32
        %dma_wait3A_109 = tpu.memref_slice %arg6[%dma_wait3A_107, %dma_wait3A_108] : memref<24x128xf32, #tpu.memory_space<vmem>> -> memref<16x128xf32, #tpu.memory_space<vmem>>
        tpu.wait_dma2 semaphore(%run_scoped3A : memref<!tpu.dma_semaphore, #tpu.memory_space<semaphore_mem>>) src(%dma_wait3A_109 : memref<16x128xf32, #tpu.memory_space<vmem>>) dst(%dma_wait3A_106 : memref<16x128xf32, #tpu.memory_space<hbm>>)
        tpu.yield
      }) : () -> ()
    } else {
    }
    %eq3A_68 = arith.constant 1 : i32
    %eq3A_69 = arith.cmpi eq, %div3A_1, %eq3A_68 : i32
    %convert_element_type3A_70 = arith.extui %eq3A_69 : i1 to i32
    %cond3A_71 = arith.constant 0 : i32
    %cond3A_72 = arith.cmpi ne, %convert_element_type3A_70, %cond3A_71 : i32
    scf.if %cond3A_72 {
      "tpu.region"() ({
        %run_scoped3A = tpu.sem_alloc : memref<!tpu.dma_semaphore, #tpu.memory_space<semaphore_mem>>
        %dma_start3A_90 = arith.constant 48 : i32
        %dma_start3A_91 = arith.constant 0 : i32
        %dma_start3A_92 = tpu.memref_slice %arg8[%dma_start3A_90, %dma_start3A_91] : memref<104x128xf32, #tpu.memory_space<vmem>> -> memref<56x128xf32, #tpu.memory_space<vmem>>
        %dma_start3A_93 = arith.constant 152 : i32
        %dma_start3A_94 = tpu.memref_slice %arg4[%dma_start3A_93, %multiple_of3A] : memref<400x1024xf32, #tpu.memory_space<hbm>> -> memref<56x128xf32, #tpu.memory_space<hbm>>
        %dma_start3A_95 = arith.constant 152 : i32
        %dma_start3A_96 = tpu.memref_slice %arg4[%dma_start3A_95, %multiple_of3A] : memref<400x1024xf32, #tpu.memory_space<hbm>> -> memref<56x128xf32, #tpu.memory_space<hbm>>
        %dma_start3A_97 = arith.constant 48 : i32
        %dma_start3A_98 = arith.constant 0 : i32
        %dma_start3A_99 = tpu.memref_slice %arg8[%dma_start3A_97, %dma_start3A_98] : memref<104x128xf32, #tpu.memory_space<vmem>> -> memref<56x128xf32, #tpu.memory_space<vmem>>
        tpu.enqueue_dma source(%dma_start3A_99 : memref<56x128xf32, #tpu.memory_space<vmem>>) target(%dma_start3A_96 : memref<56x128xf32, #tpu.memory_space<hbm>>) target_semaphore(%run_scoped3A : memref<!tpu.dma_semaphore, #tpu.memory_space<semaphore_mem>>)
        %dma_wait3A_100 = arith.constant 48 : i32
        %dma_wait3A_101 = arith.constant 0 : i32
        %dma_wait3A_102 = tpu.memref_slice %arg8[%dma_wait3A_100, %dma_wait3A_101] : memref<104x128xf32, #tpu.memory_space<vmem>> -> memref<56x128xf32, #tpu.memory_space<vmem>>
        %dma_wait3A_103 = arith.constant 152 : i32
        %dma_wait3A_104 = tpu.memref_slice %arg4[%dma_wait3A_103, %multiple_of3A] : memref<400x1024xf32, #tpu.memory_space<hbm>> -> memref<56x128xf32, #tpu.memory_space<hbm>>
        %dma_wait3A_105 = arith.constant 152 : i32
        %dma_wait3A_106 = tpu.memref_slice %arg4[%dma_wait3A_105, %multiple_of3A] : memref<400x1024xf32, #tpu.memory_space<hbm>> -> memref<56x128xf32, #tpu.memory_space<hbm>>
        %dma_wait3A_107 = arith.constant 48 : i32
        %dma_wait3A_108 = arith.constant 0 : i32
        %dma_wait3A_109 = tpu.memref_slice %arg8[%dma_wait3A_107, %dma_wait3A_108] : memref<104x128xf32, #tpu.memory_space<vmem>> -> memref<56x128xf32, #tpu.memory_space<vmem>>
        tpu.wait_dma2 semaphore(%run_scoped3A : memref<!tpu.dma_semaphore, #tpu.memory_space<semaphore_mem>>) src(%dma_wait3A_109 : memref<56x128xf32, #tpu.memory_space<vmem>>) dst(%dma_wait3A_106 : memref<56x128xf32, #tpu.memory_space<hbm>>)
        tpu.yield
      }) : () -> ()
      "tpu.region"() ({
        %run_scoped3A = tpu.sem_alloc : memref<!tpu.dma_semaphore, #tpu.memory_space<semaphore_mem>>
        %dma_start3A_90 = arith.constant 8 : i32
        %dma_start3A_91 = arith.constant 0 : i32
        %dma_start3A_92 = tpu.memref_slice %arg6[%dma_start3A_90, %dma_start3A_91] : memref<24x128xf32, #tpu.memory_space<vmem>> -> memref<16x128xf32, #tpu.memory_space<vmem>>
        %dma_start3A_93 = arith.constant 16 : i32
        %dma_start3A_94 = tpu.memref_slice %arg5[%dma_start3A_93, %multiple_of3A] : memref<50x1024xf32, #tpu.memory_space<hbm>> -> memref<16x128xf32, #tpu.memory_space<hbm>>
        %dma_start3A_95 = arith.constant 16 : i32
        %dma_start3A_96 = tpu.memref_slice %arg5[%dma_start3A_95, %multiple_of3A] : memref<50x1024xf32, #tpu.memory_space<hbm>> -> memref<16x128xf32, #tpu.memory_space<hbm>>
        %dma_start3A_97 = arith.constant 8 : i32
        %dma_start3A_98 = arith.constant 0 : i32
        %dma_start3A_99 = tpu.memref_slice %arg6[%dma_start3A_97, %dma_start3A_98] : memref<24x128xf32, #tpu.memory_space<vmem>> -> memref<16x128xf32, #tpu.memory_space<vmem>>
        tpu.enqueue_dma source(%dma_start3A_99 : memref<16x128xf32, #tpu.memory_space<vmem>>) target(%dma_start3A_96 : memref<16x128xf32, #tpu.memory_space<hbm>>) target_semaphore(%run_scoped3A : memref<!tpu.dma_semaphore, #tpu.memory_space<semaphore_mem>>)
        %dma_wait3A_100 = arith.constant 8 : i32
        %dma_wait3A_101 = arith.constant 0 : i32
        %dma_wait3A_102 = tpu.memref_slice %arg6[%dma_wait3A_100, %dma_wait3A_101] : memref<24x128xf32, #tpu.memory_space<vmem>> -> memref<16x128xf32, #tpu.memory_space<vmem>>
        %dma_wait3A_103 = arith.constant 16 : i32
        %dma_wait3A_104 = tpu.memref_slice %arg5[%dma_wait3A_103, %multiple_of3A] : memref<50x1024xf32, #tpu.memory_space<hbm>> -> memref<16x128xf32, #tpu.memory_space<hbm>>
        %dma_wait3A_105 = arith.constant 16 : i32
        %dma_wait3A_106 = tpu.memref_slice %arg5[%dma_wait3A_105, %multiple_of3A] : memref<50x1024xf32, #tpu.memory_space<hbm>> -> memref<16x128xf32, #tpu.memory_space<hbm>>
        %dma_wait3A_107 = arith.constant 8 : i32
        %dma_wait3A_108 = arith.constant 0 : i32
        %dma_wait3A_109 = tpu.memref_slice %arg6[%dma_wait3A_107, %dma_wait3A_108] : memref<24x128xf32, #tpu.memory_space<vmem>> -> memref<16x128xf32, #tpu.memory_space<vmem>>
        tpu.wait_dma2 semaphore(%run_scoped3A : memref<!tpu.dma_semaphore, #tpu.memory_space<semaphore_mem>>) src(%dma_wait3A_109 : memref<16x128xf32, #tpu.memory_space<vmem>>) dst(%dma_wait3A_106 : memref<16x128xf32, #tpu.memory_space<hbm>>)
        tpu.yield
      }) : () -> ()
    } else {
    }
    %eq3A_73 = arith.constant 2 : i32
    %eq3A_74 = arith.cmpi eq, %div3A_1, %eq3A_73 : i32
    %convert_element_type3A_75 = arith.extui %eq3A_74 : i1 to i32
    %cond3A_76 = arith.constant 0 : i32
    %cond3A_77 = arith.cmpi ne, %convert_element_type3A_75, %cond3A_76 : i32
    scf.if %cond3A_77 {
      "tpu.region"() ({
        %run_scoped3A = tpu.sem_alloc : memref<!tpu.dma_semaphore, #tpu.memory_space<semaphore_mem>>
        %dma_start3A_90 = arith.constant 48 : i32
        %dma_start3A_91 = arith.constant 0 : i32
        %dma_start3A_92 = tpu.memref_slice %arg8[%dma_start3A_90, %dma_start3A_91] : memref<104x128xf32, #tpu.memory_space<vmem>> -> memref<48x128xf32, #tpu.memory_space<vmem>>
        %dma_start3A_93 = arith.constant 256 : i32
        %dma_start3A_94 = tpu.memref_slice %arg4[%dma_start3A_93, %multiple_of3A] : memref<400x1024xf32, #tpu.memory_space<hbm>> -> memref<48x128xf32, #tpu.memory_space<hbm>>
        %dma_start3A_95 = arith.constant 256 : i32
        %dma_start3A_96 = tpu.memref_slice %arg4[%dma_start3A_95, %multiple_of3A] : memref<400x1024xf32, #tpu.memory_space<hbm>> -> memref<48x128xf32, #tpu.memory_space<hbm>>
        %dma_start3A_97 = arith.constant 48 : i32
        %dma_start3A_98 = arith.constant 0 : i32
        %dma_start3A_99 = tpu.memref_slice %arg8[%dma_start3A_97, %dma_start3A_98] : memref<104x128xf32, #tpu.memory_space<vmem>> -> memref<48x128xf32, #tpu.memory_space<vmem>>
        tpu.enqueue_dma source(%dma_start3A_99 : memref<48x128xf32, #tpu.memory_space<vmem>>) target(%dma_start3A_96 : memref<48x128xf32, #tpu.memory_space<hbm>>) target_semaphore(%run_scoped3A : memref<!tpu.dma_semaphore, #tpu.memory_space<semaphore_mem>>)
        %dma_wait3A_100 = arith.constant 48 : i32
        %dma_wait3A_101 = arith.constant 0 : i32
        %dma_wait3A_102 = tpu.memref_slice %arg8[%dma_wait3A_100, %dma_wait3A_101] : memref<104x128xf32, #tpu.memory_space<vmem>> -> memref<48x128xf32, #tpu.memory_space<vmem>>
        %dma_wait3A_103 = arith.constant 256 : i32
        %dma_wait3A_104 = tpu.memref_slice %arg4[%dma_wait3A_103, %multiple_of3A] : memref<400x1024xf32, #tpu.memory_space<hbm>> -> memref<48x128xf32, #tpu.memory_space<hbm>>
        %dma_wait3A_105 = arith.constant 256 : i32
        %dma_wait3A_106 = tpu.memref_slice %arg4[%dma_wait3A_105, %multiple_of3A] : memref<400x1024xf32, #tpu.memory_space<hbm>> -> memref<48x128xf32, #tpu.memory_space<hbm>>
        %dma_wait3A_107 = arith.constant 48 : i32
        %dma_wait3A_108 = arith.constant 0 : i32
        %dma_wait3A_109 = tpu.memref_slice %arg8[%dma_wait3A_107, %dma_wait3A_108] : memref<104x128xf32, #tpu.memory_space<vmem>> -> memref<48x128xf32, #tpu.memory_space<vmem>>
        tpu.wait_dma2 semaphore(%run_scoped3A : memref<!tpu.dma_semaphore, #tpu.memory_space<semaphore_mem>>) src(%dma_wait3A_109 : memref<48x128xf32, #tpu.memory_space<vmem>>) dst(%dma_wait3A_106 : memref<48x128xf32, #tpu.memory_space<hbm>>)
        tpu.yield
      }) : () -> ()
      "tpu.region"() ({
        %run_scoped3A = tpu.sem_alloc : memref<!tpu.dma_semaphore, #tpu.memory_space<semaphore_mem>>
        %dma_start3A_90 = arith.constant 8 : i32
        %dma_start3A_91 = arith.constant 0 : i32
        %dma_start3A_92 = tpu.memref_slice %arg6[%dma_start3A_90, %dma_start3A_91] : memref<24x128xf32, #tpu.memory_space<vmem>> -> memref<8x128xf32, #tpu.memory_space<vmem>>
        %dma_start3A_93 = arith.constant 32 : i32
        %dma_start3A_94 = tpu.memref_slice %arg5[%dma_start3A_93, %multiple_of3A] : memref<50x1024xf32, #tpu.memory_space<hbm>> -> memref<8x128xf32, #tpu.memory_space<hbm>>
        %dma_start3A_95 = arith.constant 32 : i32
        %dma_start3A_96 = tpu.memref_slice %arg5[%dma_start3A_95, %multiple_of3A] : memref<50x1024xf32, #tpu.memory_space<hbm>> -> memref<8x128xf32, #tpu.memory_space<hbm>>
        %dma_start3A_97 = arith.constant 8 : i32
        %dma_start3A_98 = arith.constant 0 : i32
        %dma_start3A_99 = tpu.memref_slice %arg6[%dma_start3A_97, %dma_start3A_98] : memref<24x128xf32, #tpu.memory_space<vmem>> -> memref<8x128xf32, #tpu.memory_space<vmem>>
        tpu.enqueue_dma source(%dma_start3A_99 : memref<8x128xf32, #tpu.memory_space<vmem>>) target(%dma_start3A_96 : memref<8x128xf32, #tpu.memory_space<hbm>>) target_semaphore(%run_scoped3A : memref<!tpu.dma_semaphore, #tpu.memory_space<semaphore_mem>>)
        %dma_wait3A_100 = arith.constant 8 : i32
        %dma_wait3A_101 = arith.constant 0 : i32
        %dma_wait3A_102 = tpu.memref_slice %arg6[%dma_wait3A_100, %dma_wait3A_101] : memref<24x128xf32, #tpu.memory_space<vmem>> -> memref<8x128xf32, #tpu.memory_space<vmem>>
        %dma_wait3A_103 = arith.constant 32 : i32
        %dma_wait3A_104 = tpu.memref_slice %arg5[%dma_wait3A_103, %multiple_of3A] : memref<50x1024xf32, #tpu.memory_space<hbm>> -> memref<8x128xf32, #tpu.memory_space<hbm>>
        %dma_wait3A_105 = arith.constant 32 : i32
        %dma_wait3A_106 = tpu.memref_slice %arg5[%dma_wait3A_105, %multiple_of3A] : memref<50x1024xf32, #tpu.memory_space<hbm>> -> memref<8x128xf32, #tpu.memory_space<hbm>>
        %dma_wait3A_107 = arith.constant 8 : i32
        %dma_wait3A_108 = arith.constant 0 : i32
        %dma_wait3A_109 = tpu.memref_slice %arg6[%dma_wait3A_107, %dma_wait3A_108] : memref<24x128xf32, #tpu.memory_space<vmem>> -> memref<8x128xf32, #tpu.memory_space<vmem>>
        tpu.wait_dma2 semaphore(%run_scoped3A : memref<!tpu.dma_semaphore, #tpu.memory_space<semaphore_mem>>) src(%dma_wait3A_109 : memref<8x128xf32, #tpu.memory_space<vmem>>) dst(%dma_wait3A_106 : memref<8x128xf32, #tpu.memory_space<hbm>>)
        tpu.yield
      }) : () -> ()
    } else {
    }
    %eq3A_78 = arith.constant 3 : i32
    %eq3A_79 = arith.cmpi eq, %div3A_1, %eq3A_78 : i32
    %convert_element_type3A_80 = arith.extui %eq3A_79 : i1 to i32
    %cond3A_81 = arith.constant 0 : i32
    %cond3A_82 = arith.cmpi ne, %convert_element_type3A_80, %cond3A_81 : i32
    scf.if %cond3A_82 {
      "tpu.region"() ({
        %run_scoped3A = tpu.sem_alloc : memref<!tpu.dma_semaphore, #tpu.memory_space<semaphore_mem>>
        %dma_start3A_90 = arith.constant 48 : i32
        %dma_start3A_91 = arith.constant 0 : i32
        %dma_start3A_92 = tpu.memref_slice %arg8[%dma_start3A_90, %dma_start3A_91] : memref<104x128xf32, #tpu.memory_space<vmem>> -> memref<48x128xf32, #tpu.memory_space<vmem>>
        %dma_start3A_93 = arith.constant 352 : i32
        %dma_start3A_94 = tpu.memref_slice %arg4[%dma_start3A_93, %multiple_of3A] : memref<400x1024xf32, #tpu.memory_space<hbm>> -> memref<48x128xf32, #tpu.memory_space<hbm>>
        %dma_start3A_95 = arith.constant 352 : i32
        %dma_start3A_96 = tpu.memref_slice %arg4[%dma_start3A_95, %multiple_of3A] : memref<400x1024xf32, #tpu.memory_space<hbm>> -> memref<48x128xf32, #tpu.memory_space<hbm>>
        %dma_start3A_97 = arith.constant 48 : i32
        %dma_start3A_98 = arith.constant 0 : i32
        %dma_start3A_99 = tpu.memref_slice %arg8[%dma_start3A_97, %dma_start3A_98] : memref<104x128xf32, #tpu.memory_space<vmem>> -> memref<48x128xf32, #tpu.memory_space<vmem>>
        tpu.enqueue_dma source(%dma_start3A_99 : memref<48x128xf32, #tpu.memory_space<vmem>>) target(%dma_start3A_96 : memref<48x128xf32, #tpu.memory_space<hbm>>) target_semaphore(%run_scoped3A : memref<!tpu.dma_semaphore, #tpu.memory_space<semaphore_mem>>)
        %dma_wait3A_100 = arith.constant 48 : i32
        %dma_wait3A_101 = arith.constant 0 : i32
        %dma_wait3A_102 = tpu.memref_slice %arg8[%dma_wait3A_100, %dma_wait3A_101] : memref<104x128xf32, #tpu.memory_space<vmem>> -> memref<48x128xf32, #tpu.memory_space<vmem>>
        %dma_wait3A_103 = arith.constant 352 : i32
        %dma_wait3A_104 = tpu.memref_slice %arg4[%dma_wait3A_103, %multiple_of3A] : memref<400x1024xf32, #tpu.memory_space<hbm>> -> memref<48x128xf32, #tpu.memory_space<hbm>>
        %dma_wait3A_105 = arith.constant 352 : i32
        %dma_wait3A_106 = tpu.memref_slice %arg4[%dma_wait3A_105, %multiple_of3A] : memref<400x1024xf32, #tpu.memory_space<hbm>> -> memref<48x128xf32, #tpu.memory_space<hbm>>
        %dma_wait3A_107 = arith.constant 48 : i32
        %dma_wait3A_108 = arith.constant 0 : i32
        %dma_wait3A_109 = tpu.memref_slice %arg8[%dma_wait3A_107, %dma_wait3A_108] : memref<104x128xf32, #tpu.memory_space<vmem>> -> memref<48x128xf32, #tpu.memory_space<vmem>>
        tpu.wait_dma2 semaphore(%run_scoped3A : memref<!tpu.dma_semaphore, #tpu.memory_space<semaphore_mem>>) src(%dma_wait3A_109 : memref<48x128xf32, #tpu.memory_space<vmem>>) dst(%dma_wait3A_106 : memref<48x128xf32, #tpu.memory_space<hbm>>)
        tpu.yield
      }) : () -> ()
      "tpu.region"() ({
        %run_scoped3A = tpu.sem_alloc : memref<!tpu.dma_semaphore, #tpu.memory_space<semaphore_mem>>
        %dma_start3A_90 = arith.constant 8 : i32
        %dma_start3A_91 = arith.constant 0 : i32
        %dma_start3A_92 = tpu.memref_slice %arg6[%dma_start3A_90, %dma_start3A_91] : memref<24x128xf32, #tpu.memory_space<vmem>> -> memref<10x128xf32, #tpu.memory_space<vmem>>
        %dma_start3A_93 = arith.constant 40 : i32
        %dma_start3A_94 = tpu.memref_slice %arg5[%dma_start3A_93, %multiple_of3A] : memref<50x1024xf32, #tpu.memory_space<hbm>> -> memref<10x128xf32, #tpu.memory_space<hbm>>
        %dma_start3A_95 = arith.constant 40 : i32
        %dma_start3A_96 = tpu.memref_slice %arg5[%dma_start3A_95, %multiple_of3A] : memref<50x1024xf32, #tpu.memory_space<hbm>> -> memref<10x128xf32, #tpu.memory_space<hbm>>
        %dma_start3A_97 = arith.constant 8 : i32
        %dma_start3A_98 = arith.constant 0 : i32
        %dma_start3A_99 = tpu.memref_slice %arg6[%dma_start3A_97, %dma_start3A_98] : memref<24x128xf32, #tpu.memory_space<vmem>> -> memref<10x128xf32, #tpu.memory_space<vmem>>
        tpu.enqueue_dma source(%dma_start3A_99 : memref<10x128xf32, #tpu.memory_space<vmem>>) target(%dma_start3A_96 : memref<10x128xf32, #tpu.memory_space<hbm>>) target_semaphore(%run_scoped3A : memref<!tpu.dma_semaphore, #tpu.memory_space<semaphore_mem>>)
        %dma_wait3A_100 = arith.constant 8 : i32
        %dma_wait3A_101 = arith.constant 0 : i32
        %dma_wait3A_102 = tpu.memref_slice %arg6[%dma_wait3A_100, %dma_wait3A_101] : memref<24x128xf32, #tpu.memory_space<vmem>> -> memref<10x128xf32, #tpu.memory_space<vmem>>
        %dma_wait3A_103 = arith.constant 40 : i32
        %dma_wait3A_104 = tpu.memref_slice %arg5[%dma_wait3A_103, %multiple_of3A] : memref<50x1024xf32, #tpu.memory_space<hbm>> -> memref<10x128xf32, #tpu.memory_space<hbm>>
        %dma_wait3A_105 = arith.constant 40 : i32
        %dma_wait3A_106 = tpu.memref_slice %arg5[%dma_wait3A_105, %multiple_of3A] : memref<50x1024xf32, #tpu.memory_space<hbm>> -> memref<10x128xf32, #tpu.memory_space<hbm>>
        %dma_wait3A_107 = arith.constant 8 : i32
        %dma_wait3A_108 = arith.constant 0 : i32
        %dma_wait3A_109 = tpu.memref_slice %arg6[%dma_wait3A_107, %dma_wait3A_108] : memref<24x128xf32, #tpu.memory_space<vmem>> -> memref<10x128xf32, #tpu.memory_space<vmem>>
        tpu.wait_dma2 semaphore(%run_scoped3A : memref<!tpu.dma_semaphore, #tpu.memory_space<semaphore_mem>>) src(%dma_wait3A_109 : memref<10x128xf32, #tpu.memory_space<vmem>>) dst(%dma_wait3A_106 : memref<10x128xf32, #tpu.memory_space<hbm>>)
        tpu.yield
      }) : () -> ()
    } else {
    }
    %dma_wait3A = arith.constant 0 : i32
    %dma_wait3A_83 = arith.constant 0 : i32
    %dma_wait3A_84 = tpu.memref_slice %arg8[%dma_wait3A, %dma_wait3A_83] : memref<104x128xf32, #tpu.memory_space<vmem>> -> memref<48x128xf32, #tpu.memory_space<vmem>>
    %dma_wait3A_85 = tpu.memref_slice %arg4[%multiple_of3A_49, %multiple_of3A] : memref<400x1024xf32, #tpu.memory_space<hbm>> -> memref<48x128xf32, #tpu.memory_space<hbm>>
    %dma_wait3A_86 = tpu.memref_slice %arg4[%multiple_of3A_49, %multiple_of3A] : memref<400x1024xf32, #tpu.memory_space<hbm>> -> memref<48x128xf32, #tpu.memory_space<hbm>>
    %dma_wait3A_87 = arith.constant 0 : i32
    %dma_wait3A_88 = arith.constant 0 : i32
    %dma_wait3A_89 = tpu.memref_slice %arg8[%dma_wait3A_87, %dma_wait3A_88] : memref<104x128xf32, #tpu.memory_space<vmem>> -> memref<48x128xf32, #tpu.memory_space<vmem>>
    tpu.wait_dma2 semaphore(%arg11 : memref<!tpu.dma_semaphore, #tpu.memory_space<semaphore_mem>>) src(%dma_wait3A_89 : memref<48x128xf32, #tpu.memory_space<vmem>>) dst(%dma_wait3A_86 : memref<48x128xf32, #tpu.memory_space<hbm>>)
    return
  }
}

</mosaic_0001>

<sc_bundles>
// kernel: kernel.3.cloned.1.call-start
scs
__scs_entry_jumppad:
0x0: {  	(pc) =	sbr.rel $0x88, $3  }
0x1: {  	(tag) =	ssettag $0x0;
	lr =	simm.s32 $0x1  }
0x2: {  	[smem:$0x3F9E] =	sst lr;
	_ =	strace $0xD0000000  }
0x3: {  	_ = 	snop  }
0x4: {  	_ = 	snop  }
0x5: {  	_ = 	snop  }
0x6: {  	_ = 	snop  }
0x7: {  	_ = 	snop  }
__scs_overlays_trampoline_lowered:
0x8: {  	[smem:$0x3FAD] =	sst s0  }
0x9: {  	[smem:$0x3FAE] =	sst s1  }
0xa: {  	[smem:$0x3FAF] =	sst s2  }
0xb: {  	[smem:$0x3FB0] =	sst s3  }
0xc: {  	[smem:$0x3FB1] =	sst s4  }
0xd: {  	[smem:$0x3FB2] =	sst s5  }
0xe: {  	[smem:$0x3FB3] =	sst s6  }
0xf: {  	[smem:$0x3FB4] =	sst s7  }
0x10: {  	[smem:$0x3FB5] =	sst s8  }
0x11: {  	[smem:$0x3FB6] =	sst s9;
	s0 =	simm.s32 @!p0 $0x0  }
0x12: {  	s1 =	sld [smem:$0x3F9C];
	s0 =	simm.s32 @p0 $0x1  }
0x13: {  	[smem:$0x3FB7] =	sst s0;
	s0 =	simm.s32 @!p1 $0x0  }
0x14: {  	s2 =	sld [smem:$0x3F9B];
	s0 =	simm.s32 @p1 $0x1  }
0x15: {  	[smem:$0x3FB8] =	sst s0;
	s0 =	simm.s32 @!p2 $0x0  }
0x16: {  	s3 =	sld [smem:$0x3FDB];
	s0 =	simm.s32 @p2 $0x1  }
0x17: {  	s4 =	simm.s32 $0x1BF5;
	[smem:$0x3FBA] =	sst s0  }
0x18: {  	s0 =	sld [smem:$0x3F9D];
	_ =	swait.ge [sflag:s4], $0x0  }
0x19: {  	s7 =	sld [smem:$0x3F9E]  }
0x1a: {  	s8 =	sadd.s32 $0xFFFFE003, lr  }
0x1b: {  	s9 =	sadd.s32 $0xFFFFFEF7, lr;
	s5 =	simm.s32 $0xFFFFFFFF;
	p2 =	slt.u32 s8, $0xFFFFF086  }
0x1c: {  	p1 =	slt.u32 s9, $0xF7A;
	s5 =	simm.s32 @!p2 $0x0  }
0x1d: {  	s5 =	simm.s32 @p1 $0x1;
	p0 =	seq.s32 s7, s2  }
0x1e: {  	s7 =	smul.u32 @!p0 $0xF7A, s2;
	p2 =	seq.s32 @!p0 s5, $0x0  }
0x1f: {  	s9 =	smul.u32 $0xF7A, s1;
	s8 =	simm.s32 @!p0 $0x1BF5;
	p2 =	por !p2, p0  }
0x20: {  	[sflag:s8] =	ssyncset.s32 @!p0 $0xFFFFF086;
	s6 =	sadd.s32 @!p0 s3, s7;
	s7 =	simm.s32 @!p0 $0x108  }
0x21: {  	s3 =	sadd.s32 s3, s9;
	s6 =	sadd.s32 @!p0 $0x88, s6;
	s7 =	simm.s32 @p2 $0x1082  }
0x22: {  	[simem:s7], [sflag:s8] =	dma.local @!p0 [hbm:s6], $0xF7A  }
0x23: {  	s9 =	sor.u32 $0xD0000000, s2;
	s6 =	simm.s32 $0x108;
	_ =	swait.ge @!p0 [sflag:s8], $0x0  }
0x24: {  	s3 =	sadd.s32 $0x88, s3;
	s6 =	simm.s32 @!p1 $0x1082;
	[sflag:s4] =	ssyncset.s32 $0xFFFFF086  }
0x25: {  	[simem:s6], [sflag:s4] =	dma.local [hbm:s3], $0xF7A  }
0x26: {  	[smem:$0x3F9E] =	sst s1;
	(tag) =	ssettag s2;
	_ =	strace s9  }
0x27: {  	s1 =	sld [smem:$0x3FAE]  }
0x28: {  	s2 =	sld [smem:$0x3FAF]  }
0x29: {  	s4 =	sld [smem:$0x3FB1]  }
0x2a: {  	p0 =	seq.s32 s5, $0x0;
	s5 =	sld [smem:$0x3FB2]  }
0x2b: {  	s6 =	sld [smem:$0x3FB3]  }
0x2c: {  	s7 =	sld [smem:$0x3FB4]  }
0x2d: {  	s3 =	simm.s32 $0x108;
	s8 =	sld [smem:$0x3FB5]  }
0x2e: {  	s3 =	simm.s32 @!p0 $0x1082;
	s9 =	sld [smem:$0x3FB6]  }
0x2f: {  	lr =	sadd.s32 s0, s3;
	s0 =	sld [smem:$0x3FAD]  }
0x30: {  	s3 =	sld [smem:$0x3FB0]  }
0x31: {  	[smem:$0x3FB9] =	sst s10  }
0x32: {  	s10 =	sld [smem:$0x3FB7];
	_ =	sdelay $0x3  }
0x33: {  	p0 =	seq.s32 s10, $0x1;
	s10 =	sld [smem:$0x3FB9];
	_ =	sdelay $0x3  }
0x34: {  	[smem:$0x3FB9] =	sst s10  }
0x35: {  	s10 =	sld [smem:$0x3FB8];
	_ =	sdelay $0x3  }
0x36: {  	p1 =	seq.s32 s10, $0x1;
	s10 =	sld [smem:$0x3FB9];
	_ =	sdelay $0x3  }
0x37: {  	[smem:$0x3FB9] =	sst s10  }
0x38: {  	s10 =	sld [smem:$0x3FBA]  }
0x39: {  	_ = 	snop;
	(pc) =	sbr.ind lr, $3  }
0x3a: {  	_ = 	snop  }
0x3b: {  	_ = 	snop  }
0x3c: {  	p2 =	seq.s32 s10, $0x1;
	s10 =	sld [smem:$0x3FB9]  }
0x3d: {  	_ =	shalt  }
0x3e: {  	_ =	shalt  }
0x3f: {  	_ =	shalt  }
0x40: {  	_ =	shalt  }
0x41: {  	_ =	shalt  }
0x42: {  	_ =	shalt  }
0x43: {  	_ =	shalt  }
0x44: {  	_ =	shalt  }
0x45: {  	_ =	shalt  }
0x46: {  	_ =	shalt  }
0x47: {  	_ =	shalt  }
0x48: {  	_ =	shalt  }
0x49: {  	_ =	shalt  }
0x4a: {  	_ =	shalt  }
0x4b: {  	_ =	shalt  }
0x4c: {  	_ =	shalt  }
0x4d: {  	_ =	shalt  }
0x4e: {  	_ =	shalt  }
0x4f: {  	_ =	shalt  }
0x50: {  	_ =	shalt  }
0x51: {  	_ =	shalt  }
0x52: {  	_ =	shalt  }
0x53: {  	_ =	shalt  }
0x54: {  	_ =	shalt  }
0x55: {  	_ =	shalt  }
0x56: {  	_ =	shalt  }
0x57: {  	_ =	shalt  }
0x58: {  	_ =	shalt  }
0x59: {  	_ =	shalt  }
0x5a: {  	_ =	shalt  }
0x5b: {  	_ =	shalt  }
0x5c: {  	_ =	shalt  }
0x5d: {  	_ =	shalt  }
0x5e: {  	_ =	shalt  }
0x5f: {  	_ =	shalt  }
0x60: {  	_ =	shalt  }
0x61: {  	_ =	shalt  }
0x62: {  	_ =	shalt  }
0x63: {  	_ =	shalt  }
0x64: {  	_ =	shalt  }
0x65: {  	_ =	shalt  }
0x66: {  	_ =	shalt  }
0x67: {  	_ =	shalt  }
0x68: {  	_ =	shalt  }
0x69: {  	_ =	shalt  }
0x6a: {  	_ =	shalt  }
0x6b: {  	_ =	shalt  }
0x6c: {  	_ =	shalt  }
0x6d: {  	_ =	shalt  }
0x6e: {  	_ =	shalt  }
0x6f: {  	_ =	shalt  }
0x70: {  	_ =	shalt  }
0x71: {  	_ =	shalt  }
0x72: {  	_ =	shalt  }
0x73: {  	_ =	shalt  }
0x74: {  	_ =	shalt  }
0x75: {  	_ =	shalt  }
0x76: {  	_ =	shalt  }
0x77: {  	_ =	shalt  }
0x78: {  	_ =	shalt  }
0x79: {  	_ =	shalt  }
0x7a: {  	_ =	shalt  }
0x7b: {  	_ =	shalt  }
0x7c: {  	_ =	shalt  }
0x7d: {  	_ =	shalt  }
0x7e: {  	_ =	shalt  }
0x7f: {  	_ =	shalt  }
0x80: {  	_ =	shalt  }
0x81: {  	_ =	shalt  }
0x82: {  	_ =	shalt  }
0x83: {  	_ =	shalt  }
0x84: {  	_ =	shalt  }
0x85: {  	_ =	shalt  }
0x86: {  	_ =	shalt  }
0x87: {  	_ =	shalt  }
.Lfunc_end0:
.L_simem_size_0:
called_computation_lowered:
.L_overlay_start_0:
0x88: {  	s2 =	sld [smem:$0x3FD9]  }
0x89: {  	s3 =	sld [smem:$0x3FFE];
	_ =	sdelay $0x1  }
0x8a: {  	s1 =	srdreg.scid  }
0x8b: {  	s0 =	sand.u32 $0x1, s1  }
0x8c: {  	s14 =	sshll.u32 s0, $0xA;
	s2 =	sadd.s32 s3, s2  }
0x8d: {  	s2 =	sadd.s32 s2, s14  }
0x8e: {  	[smem:$0x3FC5] =	sst s2  }
0x8f: {  	_ = 	snop  }
0x90: {  	s2 =	sld [smem:$0x3FD0];
	_ =	sdelay $0x2  }
0x91: {  	s4 =	simm.s32 $0xA;
	s5 =	simm.s32 $0x10;
	s15 =	sld [smem:$0x3FC9]  }
0x92: {  	[smem:s5], [sflag:s4] =	dma.local [hbm:s2], $0x1  }
0x93: {  	_ =	swait.eq [sflag:s4], $0x1  }
0x94: {  	[sflag:s4] =	ssyncset.done $0x0  }
0x95: {  	s16 =	sld [smem:$0x10];
	[sflag:s4] =	ssyncadd.s32 $0xFFFFFFFF  }
0x96: {  	s17 =	sld [smem:$0x11];
	(tm) =	ssettm $0x1  }
0x97: {  	s18 =	sld [smem:$0x3FFB];
	_ =	sdelay $0x3  }
0x98: {  	_ =	strace s18  }
0x99: {  	s5 =	sld [smem:$0x3FFC];
	_ =	sdelay $0x3  }
0x9a: {  	_ =	strace s5  }
0x9b: {  	s5 =	sld [smem:$0x3FFD];
	_ =	sdelay $0x3  }
0x9c: {  	_ =	strace s5  }
0x9d: {  	_ =	strace $0x8FFFFFFF  }
0x9e: {  	s19 =	sld [smem:$0x3FDB];
	_ =	sdelay $0x1  }
0x9f: {  	s6 =	simm.s32 $_scs_section_size  }
0xa0: {  	s7 =	simm.s32 $_size__tile_overlayer_lowered;
	s8 =	simm.s32 $_tile_overlayer_lowered  }
0xa1: {  	s22 =	simm.s32 $0x1BFF;
	s21 =	sshll.u32 s8, $0x1;
	s5 =	sadd.s32 s6, s19  }
0xa2: {  	s9 =	simm.s32 $0x0;
	s20 =	sshll.u32 s7, $0x1;
	s7 =	sadd.s32 s21, s5  }
0xa3: {  	[timem:s9], [sflag:s22] =	dma.local [hbm:s7], s20  }
0xa4: {  	_ =	swait.ge [sflag:s22], s20  }
0xa5: {  	s6 =	ssub.s32 $0x0, s20;
	[sflag:s22] =	ssyncset.done $0x0  }
0xa6: {  	[sflag:s22] =	ssyncadd.s32 s6;
	_ =	sdelay $0x1  }
0xa7: {  	s23 =	simm.s32 $0x1B8B  }
0xa8: {  	_ =	swait.ge [sflag:s23], $0x1  }
0xa9: {  	[sflag:s23] =	ssyncset.done $0x0  }
0xaa: {  	s25 =	simm.s32 $0x1B8E;
	s24 =	sld [smem:$0x3FFE];
	[sflag:s23] =	ssyncadd.s32 $0xFFFFFFFF  }
0xab: {  	s26 =	simm.s32 $execute0_lowered;
	[smem:$0x3FD2] =	sst s25  }
0xac: {  	s7 =	sshll.u32 s26, $0x1;
	_ =	strace $0x80000046;
	[dreg:$0x1] =	wrdreg $0xFFFFFFFF  }
0xad: {  	s28 =	simm.s32 $_size_execute0_lowered;
	s5 =	sadd.s32 s5, s7;
	[dreg:$0x0] =	wrdreg $0x0  }
0xae: {  	s7 =	sshll.u32 s28, $0x1;
	[dreg:$0x2] =	wrdreg s5  }
0xaf: {  	[dreg:$0x3] =	wrdreg s7  }
0xb0: {  	[dreg:$0x4] =	wrdreg $0xC0  }
0xb1: {  	_ =	task [dreg:s9], $0x5FFFF  }
0xb2: {  	[dreg:$0x1] =	wrdreg $0xFFFFFFFF  }
0xb3: {  	[dreg:$0x0] =	wrdreg $0x60  }
0xb4: {  	[dreg:$0x2] =	wrdreg s15  }
0xb5: {  	[dreg:$0x3] =	wrdreg s24  }
0xb6: {  	[dreg:$0x4] =	wrdreg s16  }
0xb7: {  	[dreg:$0x5] =	wrdreg s17  }
0xb8: {  	[dreg:$0x6] =	wrdreg $0x9  }
0xb9: {  	_ =	task.clear_ibuf [dreg:s9], $0x7FFFF;
	_ =	strace $0x90000046  }
0xba: {  	s29 =	simm.s32 $0x9;
	_ =	strace $0x80000048  }
0xbb: {  	_ =	swait.ge [sflag:s29], $0x1  }
0xbc: {  	[sflag:s29] =	ssyncadd.s32 $0xFFFFFFFF  }
0xbd: {  	_ =	strace $0x90000048  }
0xbe: {  	_ =	sfence  }
0xbf: {  	s30 =	sld [smem:$0x0];
	_ =	sdelay $0x2  }
0xc0: {  	s31 =	sshll.u32 s1, $0xD;
	s1 =	sshrl.u32 s1, $0x2  }
0xc1: {  	s3 =	sand.u32 $0x4000, s31;
	s1 =	sadd.s32 s1, s30  }
0xc2: {  	s0 =	sor.u32 s3, s0;
	s1 =	sshll.u32 s1, $0x11  }
0xc3: {  	s0 =	sor.u32 s1, s0  }
0xc4: {  	s0 =	sadd.s32 $0x8F2B, s0  }
0xc5: {  	[sflag:s0] =	ssyncadd.remote.s32 $0x1  }
0xc6: {  	_ =	sfence.sel $0xFFFF  }
0xc7: {  	[dreg:$0x0] =	wrdreg $0xFFFFFFFF;
	(pc) =	sbr.abs _section_cstart, $3  }
0xc8: {  	[dreg:$0x1] =	wrdreg $0xFFFFFFFF  }
0xc9: {  	_ =	task.clear_ibuf [dreg:s9], $0x2FFFF;
	_ =	strace $0x9FFFFFFF  }
0xca: {  	(tm) =	ssettm $0x7FFFFFFF  }
0xcb: {  	_ =	shalt  }
tec
execute0_lowered:
.L_overlay_start_1:
0x0: {  	(tag) =	ssettag $0x1  }
0x1: {  	s0 =	rddreg [dreg:$0x0]  }
0x2: {  	s1 =	rddreg [dreg:$0x1]  }
0x3: {  	s2 =	rddreg [dreg:$0x2]  }
0x4: {  	s3 =	rddreg [dreg:$0x3];
	s4 =	srdreg.scid  }
0x5: {  	s5 =	simm.s32 $0x0;
	s13 =	stileid.u32;
	s9 =	simm.s32 $0x1  }
0x6: {  	s28 =	simm.s32 $0x1BA0;
	s29 =	simm.s32 $0x1F88;
	s30 =	simm.s32 $0x2370  }
0x7: {  	s31 =	simm.s32 $0x2758;
	s4 =	sand.u32 $0x1, s4;
	[smem:$0x7FF] =	sst s5  }
0x8: {  	s1 =	sadd.s32 $0x800, s1;
	s14 =	sshrl.u32 s13, $0x2;
	s15 =	sshll.u32 s13, $0x8  }
0x9: {  	p0 =	sgt.u32 s13, $0x7;
	p1 =	sgt.u32 s13, $0x3;
	p4 =	slt.u32 s13, $0xC  }
0xa: {  	s12 =	ssub.s32 $0x2, s4;
	_ =	strace $0x80000047;
	[dreg:$0x5] =	wrdreg s1  }
0xb: {  	s4 =	sshll.u32 s4, $0x7;
	s7 =	sshll.u32 s14, $0xA;
	s16 =	smul.u32 $0xD, s14  }
0xc: {  	s10 =	sadd.s32 $0xFFFFFFFE, s14;
	s9 =	simm.s32 @!p0 $0x0;
	s6 =	sshrl.u32 s12, $0x1  }
0xd: {  	s8 =	sor.u32 s4, s15;
	s10 =	simm.s32 @!p0 $0x0;
	s4 =	simm.s32 $0x1  }
0xe: {  	s11 =	sadd.s32 s9, s14;
	s1 =	ssub.s32 s12, s6;
	s7 =	ssub.s32 s8, s7  }
0xf: {  	s5 =	ssub.s32 s16, s10;
	s10 =	simm.s32 $0xB;
	s11 =	sshll.u32 s11, $0xC  }
0x10: {  	s8 =	sadd.s32 s8, s2;
	s17 =	sadd.s32 s0, s7;
	s0 =	sand.u32 $0xC, s13  }
0x11: {  	s18 =	sshll.u32 s5, $0xA;
	s22 =	sadd.s32 $0x1800, s8;
	[dreg:$0x6] =	wrdreg s17  }
0x12: {  	s10 =	simm.s32 @!p0 $0xC;
	s3 =	sadd.s32 s3, s7;
	[dreg:$0xc] =	wrdreg s22  }
0x13: {  	s1 =	smax.u32 s1, $0x1;
	s19 =	sadd.s32 $0xC00, s17;
	[dreg:$0xb] =	wrdreg s3  }
0x14: {  	s20 =	sadd.s32 $0x400, s17;
	s12 =	sadd.s32 s7, s18;
	[dreg:$0x12] =	wrdreg s1  }
0x15: {  	s6 =	sadd.s32 $0x1000, s17;
	s24 =	sadd.s32 $0x800, s3;
	[dreg:$0x7] =	wrdreg s19  }
0x16: {  	s26 =	sadd.s32 $0x1000, s3;
	p0 =	seq.s32 s0, $0x8;
	[dreg:$0x8] =	wrdreg s20  }
0x17: {  	s22 =	simm.s32 $0xC00;
	s12 =	sand.u32 $0x1FFFFF80, s12;
	[dreg:$0xe] =	wrdreg s24  }
0x18: {  	[dreg:$0x10] =	wrdreg s26;
	s20 =	sadd.s32 $0x1400, s3;
	p2 =	sne.s32 @!p0 s0, $0x4  }
0x19: {  	v0 =	vimm.f32 $1.000000050e-03;
	[dreg:$0x9] =	wrdreg s6;
	s24 =	simm.s32 $0xFE8;
	s26 =	simm.s32 $0x17B8  }
0x1a: {  	(erf) = vrcp.f32 v0;
	s21 =	sadd.s32 s2, s12;
	s2 =	sadd.s32 s7, s2;
	p3 =	por p2, p0  }
0x1b: {  	[dreg:$0xa] =	wrdreg s21;
	s23 =	sadd.s32 $0x4C00, s2;
	s1 =	simm.s32 @!p3 $0x0  }
0x1c: {  	p2 =	por !p2, p0;
	[dreg:$0xd] =	wrdreg s23;
	s1 =	simm.s32 @p3 $0x1  }
0x1d: {  	s25 =	sadd.s32 $0x8000, s2;
	[smem:$0x7FA] =	sst s1;
	s1 =	simm.s32 @!p0 $0x0  }
0x1e: {  	s2 =	sadd.s32 $0xB000, s2;
	[dreg:$0xf] =	wrdreg s25;
	s1 =	simm.s32 @p0 $0x1  }
0x1f: {  	p0 =	sne.s32 s0, $0x4;
	[smem:$0x7FB] =	sst s1;
	s1 =	simm.s32 @!p2 $0x0  }
0x20: {  	[dreg:$0x11] =	wrdreg s2;
	s0 =	simm.s32 @!p0 $0x0;
	s1 =	simm.s32 @p2 $0x1  }
0x21: {  	s25 =	simm.s32 $0x13D0;
	s0 =	simm.s32 @p0 $0x1;
	[smem:$0x7FC] =	sst s1  }
0x22: {  	s2 =	simm.s32 $0x0;
	s1 =	sadd.s32 @!p4 $0x800, s6;
	[smem:$0x7FD] =	sst s0  }
0x23: {  	p3 =	por $0x0, $0x0;
	v0 =	vpop (erf);
	s0 =	simm.s32 $0x2;
	[dreg:$0x13] =	wrdreg s1  }
.LBB2_1:
0x24: {  	s1 =	simm.s32 $0x0;
	s3 =	rddreg [dreg:$0x5];
	s7 =	simm.s32 @!p1 $0x0  }
0x25: {  	[tilespmem:s22], [sflag:$0x1] =	stream.linear.gather [hbm4b:s3+s1], $0x1F80, $0x38;
	[tilespmem:$0x6600] =	vst v63  }
0x26: {  	s6 =	rddreg [dreg:$0x6];
	s1 =	simm.s32 @!p1 $0x400;
	s3 =	simm.s32 @!p1 $0x2000  }
0x27: {  	[tilespmem:s7], [sflag:$0x3] =	stream.strided.gather @!p1 [hbm4b:s6+s1], $0x800, s3, s1, $0x38;
	[tilespmem:$0x6600] =	vst v63  }
0x28: {  	s1 =	simm.s32 @!p1 $0x3  }
0x29: {  	_ =	swait.ge @!p1 [sflag:s1], $0x800  }
0x2a: {  	s14 =	sld [smem:$0x7FB];
	_ =	sdelay $0x1  }
0x2b: {  	[sflag:s1] =	ssyncset.done @!p1 $0x0  }
0x2c: {  	s6 =	rddreg [dreg:$0x7];
	[sflag:s1] =	ssyncadd.s32 @!p1 $0xFFFFF800;
	p6 =	seq.s32 s14, $0x1  }
0x2d: {  	s1 =	simm.s32 @p6 $0x400;
	s3 =	simm.s32 @p6 $0x2000;
	s7 =	simm.s32 @p6 $0x0  }
0x2e: {  	[tilespmem:s7], [sflag:$0x3] =	stream.strided.gather @p6 [hbm4b:s6+s1], $0x800, s3, s1, $0x38;
	[tilespmem:$0x6600] =	vst v63  }
0x2f: {  	s1 =	simm.s32 @p6 $0x3  }
0x30: {  	_ =	swait.ge @p6 [sflag:s1], $0x800  }
0x31: {  	s15 =	sld [smem:$0x7FA];
	_ =	sdelay $0x1  }
0x32: {  	[sflag:s1] =	ssyncset.done @p6 $0x0  }
0x33: {  	s6 =	rddreg [dreg:$0x8];
	[sflag:s1] =	ssyncadd.s32 @p6 $0xFFFFF800;
	p2 =	seq.s32 s15, $0x1  }
0x34: {  	s1 =	simm.s32 @!p2 $0x400;
	s3 =	simm.s32 @!p2 $0x2000;
	s7 =	simm.s32 @!p2 $0x0  }
0x35: {  	[tilespmem:s7], [sflag:$0x3] =	stream.strided.gather @!p2 [hbm4b:s6+s1], $0xC00, s3, s1, $0x38;
	[tilespmem:$0x6600] =	vst v63  }
0x36: {  	s1 =	simm.s32 @!p2 $0x3  }
0x37: {  	_ =	swait.ge @!p2 [sflag:s1], $0xC00  }
0x38: {  	s3 =	simm.s32 @!p4 $0x2000;
	s7 =	simm.s32 @!p4 $0x0;
	[sflag:s1] =	ssyncset.done @!p2 $0x0  }
0x39: {  	s6 =	rddreg [dreg:$0x9];
	[sflag:s1] =	ssyncadd.s32 @!p2 $0xFFFFF400;
	s1 =	simm.s32 @!p4 $0x400  }
0x3a: {  	[tilespmem:s7], [sflag:$0x3] =	stream.strided.gather @!p4 [hbm4b:s6+s1], $0x800, s3, s1, $0x38;
	[tilespmem:$0x6600] =	vst v63  }
0x3b: {  	s16 =	simm.s32 $0x0;
	s1 =	simm.s32 @!p4 $0x800;
	s3 =	rddreg [dreg:$0x13]  }
0x3c: {  	[tilespmem:s1], [sflag:$0x3] =	stream.linear.gather @!p4 [hbm4b:s3+s7], $0x180, $0x38;
	[tilespmem:$0x6600] =	vst v63  }
0x3d: {  	s17 =	simm.s32 $0x0;
	s1 =	smin.u32 s16, s10  }
0x3e: {  	s3 =	sand.u32 $0xFFFFFF80, s17;
	s1 =	sadd.s32 s5, s1  }
0x3f: {  	s12 =	simm.s32 $0x0;
	s8 =	ssub.s32 $0x10, s3;
	s1 =	sshll.u32 s1, $0x9  }
0x40: {  	s7 =	simm.s32 @!p4 $0x3;
	s3 =	sadd.s32 $0xFFFFFFF0, s8;
	s1 =	ssub.s32 s1, s11  }
0x41: {  	_ =	swait.ge @!p4 [sflag:s7], $0x980;
	s3 =	sand.u32 $0xFFFFFF80, s3;
	s14 =	sshra.s32 s1, $0x2  }
0x42: {  	s18 =	sand.u32 $0x60, s12;
	[sflag:s7] =	ssyncset.done @!p4 $0x0;
	s3 =	sadd.s32 s3, s14  }
0x43: {  	[sflag:s7] =	ssyncadd.s32 @!p4 $0xFFFFF680;
	s1 =	sadd.s32 s18, s3  }
0x44: {  	v1 =	vld [tilespmem:s1+$0x0];
	_ =	sdelay $0x4  }
0x45: {  	v1 =	vmul.f32 v1, v0;
	_ =	sdelay $0x1  }
0x46: {  	v1 =	vtrunc.f32 v1  }
0x47: {  	v1 =	vcvt.f32.s32 v1  }
0x48: {  	s23 =	sld [smem:$0x7FC]  }
0x49: {  	s19 =	sand.u32 $0xFFFFFF80, s8;
	vm0 =	vgt.s32 v1, $0x0  }
0x4a: {  	p5 =	por @!p2 $0x0, $0x0;
	s7 =	sadd.s32 s19, s14;
	s3 =	simm.s32 $0x10;
	v1 =	vnsel vm0, $0x0, v1  }
0x4b: {  	p0 =	seq.s32 s23, $0x1;
	s1 =	simm.s32 $0x5F90;
	s21 =	sand.u32 $0x70, s3;
	v1 =	vmin.u32 v1, $0x3E7  }
0x4c: {  	p2 =	por @p6 $0x1, $0x1;
	p5 =	por @!p0 p3, p3;
	s8 =	sadd.s32 s21, s7;
	[tilespmem:s1+$0xFFFFFFF0] =	vst v1  }
0x4d: {  	p2 =	por @!p6 p5, p5;
	s7 =	simm.s32 $0x0;
	v1 =	vld [tilespmem:s8+$0x0];
	s8 =	simm.s32 $0x0  }
.LBB2_2:
0x4e: {  	_ =	sdelay $0x3  }
0x4f: {  	s7 =	sadd.s32 $0x2, s7;
	v1 =	vmul.f32 v1, v0  }
0x50: {  	s8 =	sadd.s32 $0x2, s8;
	s12 =	sshrl.u32 s7, $0x3;
	p5 =	slt.u32 s7, $0x66  }
0x51: {  	s14 =	sshll.u32 s8, $0x4;
	s12 =	smin.u32 s12, s10;
	v1 =	vtrunc.f32 v1  }
0x52: {  	s3 =	sadd.s32 $0x20, s3;
	s14 =	sand.u32 $0xFFFFFF80, s14;
	s12 =	sadd.s32 s5, s12;
	v1 =	vcvt.f32.s32 v1  }
0x53: {  	s14 =	ssub.s32 s3, s14;
	s12 =	sshll.u32 s12, $0x9  }
0x54: {  	s15 =	sadd.s32 $0xFFFFFFF0, s14;
	s12 =	ssub.s32 s12, s11;
	vm0 =	vgt.s32 v1, $0x0  }
0x55: {  	s16 =	sadd.s32 $0xFFFFFFF0, s3;
	s15 =	sand.u32 $0xFFFFFF80, s15;
	s12 =	sshra.s32 s12, $0x2;
	v1 =	vnsel vm0, $0x0, v1  }
0x56: {  	s16 =	sand.u32 $0x60, s16;
	s15 =	sadd.s32 s15, s12;
	v1 =	vmin.u32 v1, $0x3E7  }
0x57: {  	s15 =	sadd.s32 s16, s15;
	[tilespmem:s1+$0x0] =	vst v1  }
0x58: {  	v1 =	vld [tilespmem:s15+$0x0];
	_ =	sdelay $0x4  }
0x59: {  	v1 =	vmul.f32 v1, v0;
	_ =	sdelay $0x1  }
0x5a: {  	v1 =	vtrunc.f32 v1  }
0x5b: {  	v1 =	vcvt.f32.s32 v1;
	_ =	sdelay $0x1  }
.Ltmp0:
0x5c: {  	vm0 =	vgt.s32 v1, $0x0;
	(pc) =	sbr.rel @p5 .LBB2_2-.Ltmp0, $4  }
0x5d: {  	s14 =	sand.u32 $0xFFFFFF80, s14;
	v1 =	vnsel vm0, $0x0, v1  }
0x5e: {  	s12 =	sadd.s32 s14, s12;
	s1 =	sadd.s32 $0x20, s1;
	s15 =	sand.u32 $0x70, s3;
	v1 =	vmin.u32 v1, $0x3E7  }
0x5f: {  	s12 =	sadd.s32 s15, s12;
	[tilespmem:s1+$0xFFFFFFF0] =	vst v1  }
0x60: {  	v1 =	vld [tilespmem:s12+$0x0]  }
0x61: {  	_ =	sdelay $0x3  }
0x62: {  	v1 =	vmul.f32 v1, v0;
	_ =	sdelay $0x1  }
0x63: {  	v1 =	vtrunc.f32 v1  }
0x64: {  	v1 =	vcvt.f32.s32 v1;
	_ =	sdelay $0x1  }
0x65: {  	vm0 =	vgt.s32 v1, $0x0  }
0x66: {  	v1 =	vnsel vm0, $0x0, v1  }
0x67: {  	v1 =	vmin.u32 v1, $0x3E7  }
0x68: {  	[tilespmem:s1+$0x0] =	vst v1  }
0x69: {  	_ =	swait.ge [sflag:s4], $0x1F80  }
0x6a: {  	s3 =	simm.s32 $0xFFFFFFFE;
	s7 =	simm.s32 $0x5F90;
	[sflag:s4] =	ssyncset.done $0x0  }
0x6b: {  	s8 =	simm.s32 $0x10;
	s1 =	simm.s32 $0x0;
	[sflag:s4] =	ssyncadd.s32 $0xFFFFE080  }
.LBB2_4:
0x6c: {  	v1 =	vld [tilespmem:s7+$0xFFFFFFF0];
	_ =	sdelay $0x5  }
0x6d: {  	s12 =	sshll.u32 s1, $0x4  }
0x6e: {  	s3 =	sadd.s32 $0x2, s3;
	s12 =	sand.u32 $0xFFFFFF80, s12  }
0x6f: {  	s14 =	sshll.u32 s3, $0x7;
	s12 =	ssub.s32 s8, s12;
	v2 =	vld.idx.msk [tilespmem:v1+s22+$0x0], $0xffff  }
0x70: {  	s14 =	sand.u32 $0x3FFFFC00, s14;
	s15 =	sadd.s32 $0xFFFFFFF0, s12  }
0x71: {  	s16 =	sadd.s32 $0xFFFFFFF0, s8;
	s9 =	sadd.s32 $0x2B80, s14;
	s15 =	sand.u32 $0xFFFFFF80, s15  }
0x72: {  	s16 =	sand.u32 $0x60, s16;
	s17 =	sadd.s32 s15, s9  }
0x73: {  	s17 =	sor.u32 s16, s17  }
0x74: {  	[tilespmem:s17+$0x0] =	vst v2  }
0x75: {  	v2 =	vld.idx.msk [tilespmem:v1+s24+$0x0], $0xffff;
	_ =	sdelay $0x1  }
0x76: {  	s17 =	sadd.s32 $0x2C00, s14  }
0x77: {  	s18 =	sadd.s32 s15, s17  }
0x78: {  	s18 =	sor.u32 s16, s18  }
0x79: {  	[tilespmem:s18+$0x0] =	vst v2  }
0x7a: {  	v2 =	vld.idx.msk [tilespmem:v1+s25+$0x0], $0xffff;
	_ =	sdelay $0x1  }
0x7b: {  	s18 =	sadd.s32 $0x2C80, s14  }
0x7c: {  	s19 =	sadd.s32 s15, s18  }
0x7d: {  	s19 =	sor.u32 s16, s19  }
0x7e: {  	[tilespmem:s19+$0x0] =	vst v2  }
0x7f: {  	v2 =	vld.idx.msk [tilespmem:v1+s26+$0x0], $0xffff;
	_ =	sdelay $0x1  }
0x80: {  	s19 =	sadd.s32 $0x2D00, s14  }
0x81: {  	s21 =	sadd.s32 s15, s19  }
0x82: {  	s21 =	sor.u32 s16, s21  }
0x83: {  	[tilespmem:s21+$0x0] =	vst v2  }
0x84: {  	v2 =	vld.idx.msk [tilespmem:v1+s28+$0x0], $0xffff;
	_ =	sdelay $0x1  }
0x85: {  	s21 =	sadd.s32 $0x2D80, s14  }
0x86: {  	s23 =	sadd.s32 s15, s21  }
0x87: {  	s23 =	sor.u32 s16, s23  }
0x88: {  	[tilespmem:s23+$0x0] =	vst v2  }
0x89: {  	v2 =	vld.idx.msk [tilespmem:v1+s29+$0x0], $0xffff;
	_ =	sdelay $0x1  }
0x8a: {  	s23 =	sadd.s32 $0x2E00, s14  }
0x8b: {  	s6 =	sadd.s32 s15, s23  }
0x8c: {  	s6 =	sor.u32 s16, s6  }
0x8d: {  	[tilespmem:s6+$0x0] =	vst v2  }
0x8e: {  	v2 =	vld.idx.msk [tilespmem:v1+s30+$0x0], $0xffff;
	_ =	sdelay $0x1  }
0x8f: {  	s6 =	sadd.s32 $0x2E80, s14  }
0x90: {  	s13 =	sadd.s32 s15, s6  }
0x91: {  	s13 =	sor.u32 s16, s13  }
0x92: {  	[tilespmem:s13+$0x0] =	vst v2  }
0x93: {  	v1 =	vld.idx.msk [tilespmem:v1+s31+$0x0], $0xffff;
	_ =	sdelay $0x1  }
0x94: {  	s13 =	sadd.s32 $0x2F00, s14  }
0x95: {  	s14 =	sadd.s32 s15, s13  }
0x96: {  	s14 =	sor.u32 s16, s14  }
0x97: {  	[tilespmem:s14+$0x0] =	vst v1  }
0x98: {  	v1 =	vld [tilespmem:s7+$0x0];
	_ =	sdelay $0x7  }
0x99: {  	v2 =	vld.idx.msk [tilespmem:v1+s22+$0x0], $0xffff;
	_ =	sdelay $0x1  }
0x9a: {  	s12 =	sand.u32 $0xFFFFFF80, s12  }
0x9b: {  	s9 =	sadd.s32 s12, s9;
	s15 =	sand.u32 $0x70, s8  }
0x9c: {  	s9 =	sor.u32 s15, s9  }
0x9d: {  	[tilespmem:s9+$0x0] =	vst v2  }
0x9e: {  	v2 =	vld.idx.msk [tilespmem:v1+s24+$0x0], $0xffff;
	_ =	sdelay $0x2  }
0x9f: {  	s16 =	sadd.s32 s12, s17  }
0xa0: {  	s9 =	sor.u32 s15, s16  }
0xa1: {  	[tilespmem:s9+$0x0] =	vst v2  }
0xa2: {  	v2 =	vld.idx.msk [tilespmem:v1+s25+$0x0], $0xffff;
	_ =	sdelay $0x2  }
0xa3: {  	s17 =	sadd.s32 s12, s18  }
0xa4: {  	s9 =	sor.u32 s15, s17  }
0xa5: {  	[tilespmem:s9+$0x0] =	vst v2  }
0xa6: {  	v2 =	vld.idx.msk [tilespmem:v1+s26+$0x0], $0xffff;
	_ =	sdelay $0x2  }
0xa7: {  	s18 =	sadd.s32 s12, s19  }
0xa8: {  	s9 =	sor.u32 s15, s18  }
0xa9: {  	[tilespmem:s9+$0x0] =	vst v2  }
0xaa: {  	v2 =	vld.idx.msk [tilespmem:v1+s28+$0x0], $0xffff;
	_ =	sdelay $0x2  }
0xab: {  	s19 =	sadd.s32 s12, s21  }
0xac: {  	s9 =	sor.u32 s15, s19  }
0xad: {  	[tilespmem:s9+$0x0] =	vst v2  }
0xae: {  	v2 =	vld.idx.msk [tilespmem:v1+s29+$0x0], $0xffff;
	_ =	sdelay $0x2  }
0xaf: {  	s21 =	sadd.s32 s12, s23  }
0xb0: {  	s9 =	sor.u32 s15, s21  }
0xb1: {  	[tilespmem:s9+$0x0] =	vst v2  }
0xb2: {  	v2 =	vld.idx.msk [tilespmem:v1+s30+$0x0], $0xffff;
	_ =	sdelay $0x2  }
0xb3: {  	s6 =	sadd.s32 s12, s6  }
0xb4: {  	s6 =	sor.u32 s15, s6  }
0xb5: {  	[tilespmem:s6+$0x0] =	vst v2  }
0xb6: {  	p5 =	slt.u32 s3, $0x2E;
	v1 =	vld.idx.msk [tilespmem:v1+s31+$0x0], $0xffff  }
.Ltmp1:
0xb7: {  	_ = 	snop;
	(pc) =	sbr.rel @p5 .LBB2_4-.Ltmp1, $4  }
0xb8: {  	_ = 	snop  }
0xb9: {  	s23 =	sadd.s32 s12, s13  }
0xba: {  	s6 =	sor.u32 s15, s23  }
0xbb: {  	s1 =	sadd.s32 $0x2, s1;
	s8 =	sadd.s32 $0x20, s8;
	s7 =	sadd.s32 $0x20, s7;
	[tilespmem:s6+$0x0] =	vst v1  }
0xbc: {  	s1 =	rddreg [dreg:$0xa];
	s3 =	simm.s32 $0x400  }
0xbd: {  	s6 =	simm.s32 $0x2000;
	s7 =	simm.s32 $0x2B80;
	s8 =	simm.s32 $0x6290  }
0xbe: {  	[hbm4b:s1+s3] =	stream.strided.scatter [tilespmem:s7], [sflag:$0x2], $0x1800, s6, s3, $0x38;
	[tilespmem:$0x6600] =	vst v63  }
0xbf: {  	s1 =	simm.s32 $0x30;
	s3 =	simm.s32 $0x2E;
	s7 =	simm.s32 $0x310  }
.LBB2_6:
0xc0: {  	v1 =	vld [tilespmem:s8+$0xFFFFFFF0];
	_ =	sdelay $0x5  }
0xc1: {  	s3 =	sadd.s32 $0x2, s3;
	s6 =	sshll.u32 s1, $0x4  }
0xc2: {  	s9 =	sshrl.u32 s3, $0x3;
	s6 =	sand.u32 $0xFFFFFF80, s6  }
0xc3: {  	s9 =	smin.u32 s9, s10;
	s6 =	ssub.s32 s7, s6;
	v2 =	vld.idx.msk [tilespmem:v1+s22+$0x0], $0xffff  }
0xc4: {  	s12 =	sadd.s32 $0xFFFFFFF0, s6;
	s9 =	sshll.u32 s9, $0xA  }
0xc5: {  	s13 =	sadd.s32 $0xFFFFFFF0, s7;
	s12 =	sand.u32 $0xFFFFFF80, s12;
	s14 =	sadd.s32 $0x2B80, s9  }
0xc6: {  	s13 =	sand.u32 $0x60, s13;
	s15 =	sadd.s32 s12, s14  }
0xc7: {  	s15 =	sor.u32 s13, s15  }
0xc8: {  	[tilespmem:s15+$0x0] =	vst v2  }
0xc9: {  	v2 =	vld.idx.msk [tilespmem:v1+s24+$0x0], $0xffff;
	_ =	sdelay $0x1  }
0xca: {  	s15 =	sadd.s32 $0x2C00, s9  }
0xcb: {  	s16 =	sadd.s32 s12, s15  }
0xcc: {  	s16 =	sor.u32 s13, s16  }
0xcd: {  	[tilespmem:s16+$0x0] =	vst v2  }
0xce: {  	v2 =	vld.idx.msk [tilespmem:v1+s25+$0x0], $0xffff;
	_ =	sdelay $0x1  }
0xcf: {  	s16 =	sadd.s32 $0x2C80, s9  }
0xd0: {  	s17 =	sadd.s32 s12, s16  }
0xd1: {  	s17 =	sor.u32 s13, s17  }
0xd2: {  	[tilespmem:s17+$0x0] =	vst v2  }
0xd3: {  	v2 =	vld.idx.msk [tilespmem:v1+s26+$0x0], $0xffff;
	_ =	sdelay $0x1  }
0xd4: {  	s17 =	sadd.s32 $0x2D00, s9  }
0xd5: {  	s18 =	sadd.s32 s12, s17  }
0xd6: {  	s18 =	sor.u32 s13, s18  }
0xd7: {  	[tilespmem:s18+$0x0] =	vst v2  }
0xd8: {  	v2 =	vld.idx.msk [tilespmem:v1+s28+$0x0], $0xffff;
	_ =	sdelay $0x1  }
0xd9: {  	s18 =	sadd.s32 $0x2D80, s9  }
0xda: {  	s19 =	sadd.s32 s12, s18  }
0xdb: {  	s19 =	sor.u32 s13, s19  }
0xdc: {  	[tilespmem:s19+$0x0] =	vst v2  }
0xdd: {  	v2 =	vld.idx.msk [tilespmem:v1+s29+$0x0], $0xffff;
	_ =	sdelay $0x1  }
0xde: {  	s19 =	sadd.s32 $0x2E00, s9  }
0xdf: {  	s21 =	sadd.s32 s12, s19  }
0xe0: {  	s21 =	sor.u32 s13, s21  }
0xe1: {  	[tilespmem:s21+$0x0] =	vst v2  }
0xe2: {  	v2 =	vld.idx.msk [tilespmem:v1+s30+$0x0], $0xffff;
	_ =	sdelay $0x1  }
0xe3: {  	s21 =	sadd.s32 $0x2E80, s9  }
0xe4: {  	s23 =	sadd.s32 s12, s21  }
0xe5: {  	s23 =	sor.u32 s13, s23  }
0xe6: {  	[tilespmem:s23+$0x0] =	vst v2  }
0xe7: {  	v1 =	vld.idx.msk [tilespmem:v1+s31+$0x0], $0xffff;
	_ =	sdelay $0x1  }
0xe8: {  	s9 =	sadd.s32 $0x2F00, s9  }
0xe9: {  	s12 =	sadd.s32 s12, s9  }
0xea: {  	s12 =	sor.u32 s13, s12  }
0xeb: {  	[tilespmem:s12+$0x0] =	vst v1  }
0xec: {  	v1 =	vld [tilespmem:s8+$0x0];
	_ =	sdelay $0x7  }
0xed: {  	v2 =	vld.idx.msk [tilespmem:v1+s22+$0x0], $0xffff;
	_ =	sdelay $0x1  }
0xee: {  	s6 =	sand.u32 $0xFFFFFF80, s6  }
0xef: {  	s14 =	sadd.s32 s6, s14;
	s12 =	sand.u32 $0x70, s7  }
0xf0: {  	s13 =	sor.u32 s12, s14  }
0xf1: {  	[tilespmem:s13+$0x0] =	vst v2  }
0xf2: {  	v2 =	vld.idx.msk [tilespmem:v1+s24+$0x0], $0xffff;
	_ =	sdelay $0x2  }
0xf3: {  	s15 =	sadd.s32 s6, s15  }
0xf4: {  	s13 =	sor.u32 s12, s15  }
0xf5: {  	[tilespmem:s13+$0x0] =	vst v2  }
0xf6: {  	v2 =	vld.idx.msk [tilespmem:v1+s25+$0x0], $0xffff;
	_ =	sdelay $0x2  }
0xf7: {  	s16 =	sadd.s32 s6, s16  }
0xf8: {  	s13 =	sor.u32 s12, s16  }
0xf9: {  	[tilespmem:s13+$0x0] =	vst v2  }
0xfa: {  	v2 =	vld.idx.msk [tilespmem:v1+s26+$0x0], $0xffff;
	_ =	sdelay $0x2  }
0xfb: {  	s17 =	sadd.s32 s6, s17  }
0xfc: {  	s13 =	sor.u32 s12, s17  }
0xfd: {  	[tilespmem:s13+$0x0] =	vst v2  }
0xfe: {  	v2 =	vld.idx.msk [tilespmem:v1+s28+$0x0], $0xffff;
	_ =	sdelay $0x2  }
0xff: {  	s18 =	sadd.s32 s6, s18  }
0x100: {  	s13 =	sor.u32 s12, s18  }
0x101: {  	[tilespmem:s13+$0x0] =	vst v2  }
0x102: {  	v2 =	vld.idx.msk [tilespmem:v1+s29+$0x0], $0xffff;
	_ =	sdelay $0x2  }
0x103: {  	s19 =	sadd.s32 s6, s19  }
0x104: {  	s13 =	sor.u32 s12, s19  }
0x105: {  	[tilespmem:s13+$0x0] =	vst v2  }
0x106: {  	v2 =	vld.idx.msk [tilespmem:v1+s30+$0x0], $0xffff;
	_ =	sdelay $0x2  }
0x107: {  	s23 =	sadd.s32 s6, s21  }
0x108: {  	s13 =	sor.u32 s12, s23  }
0x109: {  	[tilespmem:s13+$0x0] =	vst v2  }
0x10a: {  	p5 =	slt.u32 s3, $0x66;
	v1 =	vld.idx.msk [tilespmem:v1+s31+$0x0], $0xffff  }
.Ltmp2:
0x10b: {  	_ = 	snop;
	(pc) =	sbr.rel @p5 .LBB2_6-.Ltmp2, $4  }
0x10c: {  	_ = 	snop  }
0x10d: {  	s6 =	sadd.s32 s6, s9  }
0x10e: {  	s6 =	sor.u32 s12, s6  }
0x10f: {  	s1 =	sadd.s32 $0x2, s1;
	s7 =	sadd.s32 $0x20, s7;
	s8 =	sadd.s32 $0x20, s8;
	[tilespmem:s6+$0x0] =	vst v1  }
0x110: {  	s1 =	simm.s32 @!p1 $0x400  }
0x111: {  	s3 =	simm.s32 @!p1 $0x2000;
	s6 =	simm.s32 @!p1 $0x4380;
	s7 =	rddreg [dreg:$0xc]  }
0x112: {  	[hbm4b:s7+s1] =	stream.strided.scatter @!p1 [tilespmem:s6], [sflag:$0x3], $0x1C00, s3, s1, $0x38;
	[tilespmem:$0x6600] =	vst v63  }
0x113: {  	s6 =	simm.s32 @!p1 $0x3  }
0x114: {  	_ =	swait.ge @!p1 [sflag:s6], $0x1C00  }
0x115: {  	[sflag:s6] =	ssyncset.done @!p1 $0x0  }
0x116: {  	s7 =	simm.s32 @!p1 $0x0;
	s8 =	rddreg [dreg:$0xb];
	[sflag:s6] =	ssyncadd.s32 @!p1 $0xFFFFE400  }
0x117: {  	[hbm4b:s8+s1] =	stream.strided.scatter @!p1 [tilespmem:s7], [sflag:$0x3], $0x800, s3, s1, $0x38;
	[tilespmem:$0x6600] =	vst v63  }
0x118: {  	_ =	swait.ge @!p1 [sflag:s6], $0x800  }
0x119: {  	s21 =	sld [smem:$0x7FD];
	_ =	sdelay $0x1  }
0x11a: {  	[sflag:s6] =	ssyncset.done @!p1 $0x0  }
0x11b: {  	s7 =	rddreg [dreg:$0xd];
	[sflag:s6] =	ssyncadd.s32 @!p1 $0xFFFFF800;
	p0 =	seq.s32 s21, $0x1  }
0x11c: {  	s1 =	simm.s32 @!p0 $0x400;
	s3 =	simm.s32 @!p0 $0x2000;
	s6 =	simm.s32 @!p0 $0x4380  }
0x11d: {  	[hbm4b:s7+s1] =	stream.strided.scatter @!p0 [tilespmem:s6], [sflag:$0x3], $0x1C00, s3, s1, $0x38;
	[tilespmem:$0x6600] =	vst v63  }
0x11e: {  	s6 =	simm.s32 @!p0 $0x3  }
0x11f: {  	_ =	swait.ge @!p0 [sflag:s6], $0x1C00  }
0x120: {  	[sflag:s6] =	ssyncset.done @!p0 $0x0  }
0x121: {  	s7 =	rddreg [dreg:$0xe];
	[sflag:s6] =	ssyncadd.s32 @!p0 $0xFFFFE400  }
0x122: {  	[hbm4b:s7+s1] =	stream.strided.scatter @!p0 [tilespmem:s1], [sflag:$0x3], $0x800, s3, s1, $0x38;
	[tilespmem:$0x6600] =	vst v63  }
0x123: {  	_ =	swait.ge @!p0 [sflag:s6], $0x800  }
0x124: {  	s1 =	simm.s32 @p2 $0x400;
	s3 =	simm.s32 @p2 $0x2000;
	[sflag:s6] =	ssyncset.done @!p0 $0x0  }
0x125: {  	s7 =	rddreg [dreg:$0xf];
	[sflag:s6] =	ssyncadd.s32 @!p0 $0xFFFFF800;
	s6 =	simm.s32 @p2 $0x4380  }
0x126: {  	[hbm4b:s7+s1] =	stream.strided.scatter @p2 [tilespmem:s6], [sflag:$0x3], $0x1800, s3, s1, $0x38;
	[tilespmem:$0x6600] =	vst v63  }
0x127: {  	s3 =	simm.s32 @p2 $0x3  }
0x128: {  	_ =	swait.ge @p2 [sflag:s3], $0x1800  }
0x129: {  	[sflag:s3] =	ssyncset.done @p2 $0x0  }
0x12a: {  	s6 =	simm.s32 @p2 $0x0;
	s7 =	rddreg [dreg:$0x10];
	[sflag:s3] =	ssyncadd.s32 @p2 $0xFFFFE800  }
0x12b: {  	[hbm4b:s7+s6] =	stream.linear.scatter @p2 [tilespmem:s1], [sflag:$0x3], $0x400, $0x38;
	[tilespmem:$0x6600] =	vst v63  }
0x12c: {  	_ =	swait.ge @p2 [sflag:s3], $0x400  }
0x12d: {  	s1 =	simm.s32 @!p4 $0x400;
	s6 =	simm.s32 @!p4 $0x4380;
	[sflag:s3] =	ssyncset.done @p2 $0x0  }
0x12e: {  	s7 =	rddreg [dreg:$0x11];
	[sflag:s3] =	ssyncadd.s32 @p2 $0xFFFFFC00;
	s3 =	simm.s32 @!p4 $0x2000  }
0x12f: {  	[hbm4b:s7+s1] =	stream.strided.scatter @!p4 [tilespmem:s6], [sflag:$0x3], $0x1800, s3, s1, $0x38;
	[tilespmem:$0x6600] =	vst v63  }
0x130: {  	s3 =	simm.s32 @!p4 $0x3  }
0x131: {  	_ =	swait.ge @!p4 [sflag:s3], $0x1800  }
0x132: {  	[sflag:s3] =	ssyncset.done @!p4 $0x0  }
0x133: {  	s6 =	simm.s32 @!p4 $0x0;
	[sflag:s3] =	ssyncadd.s32 @!p4 $0xFFFFE800  }
0x134: {  	[hbm4b:s20+s6] =	stream.linear.scatter @!p4 [tilespmem:s1], [sflag:$0x3], $0x400, $0x38;
	[tilespmem:$0x6600] =	vst v63  }
0x135: {  	s7 =	simm.s32 @!p4 $0x800;
	s1 =	sadd.s32 @!p4 $0x400, s20  }
0x136: {  	[hbm4b:s1+s6] =	stream.linear.scatter @!p4 [tilespmem:s7], [sflag:$0x3], $0x100, $0x38;
	[tilespmem:$0x6600] =	vst v63  }
0x137: {  	_ =	swait.ge @!p4 [sflag:s3], $0x500  }
0x138: {  	[sflag:s3] =	ssyncset.done @!p4 $0x0  }
0x139: {  	[sflag:s3] =	ssyncadd.s32 @!p4 $0xFFFFFB00  }
0x13a: {  	_ =	swait.ge [sflag:s0], $0x1800  }
0x13b: {  	s2 =	sadd.s32 $0x1, s2;
	s23 =	rddreg [dreg:$0x12]  }
0x13c: {  	p2 =	sne.s32 s2, s23  }
.Ltmp3:
0x13d: {  	_ = 	snop;
	(pc) =	sbr.rel @p2 .LBB2_1-.Ltmp3, $3  }
0x13e: {  	_ =	sdelay $0x1  }
0x13f: {  	[sflag:s0] =	ssyncset.done $0x0  }
0x140: {  	[sflag:s0] =	ssyncadd.s32 $0xFFFFE800  }
0x141: {  	_ =	sfence.sel $0x180000  }
0x142: {  	[bflag:$0x0] =	sbarrier.arrive $0xFFFF  }
0x143: {  	_ =	strace $0x90000047  }
0x144: {  	s0 =	stileid.u32;
	[bflag:$0x2] =	sbarrier.arrive $0xFFFF  }
0x145: {  	p0 =	sne.s32 s0, $0x0;
	s0 =	rddreg [dreg:$0x4]  }
0x146: {  	s0 =	sadd.s32 @!p0 $0x100000, s0  }
0x147: {  	[sflag:s0] =	ssyncadd.tile.s32 @!p0 $0x1;
	_ =	shalt  }
.Lfunc_end2:
_tile_overlayer_lowered:
.L_overlay_start_2:
0x148: {  	(tag) =	ssettag $0x2  }
0x149: {  	s0 =	rddreg [dreg:$0x0];
	s2 =	stileid.u32  }
0x14a: {  	s1 =	rddreg [dreg:$0x1];
	p0 =	sne.s32 s2, $0x0  }
0x14b: {  	s3 =	rddreg [dreg:$0x2];
	[bflag:$0x3] =	sbarrier.arrive $0xFFFF;
	s2 =	simm.s32 @!p0 $0x1C03  }
0x14c: {  	[timem:s3], [sflag:s2] =	dma.local @!p0 [hbm:s0], s1  }
0x14d: {  	s0 =	simm.s32 @!p0 $0x3  }
0x14e: {  	_ =	swait.ge @!p0 [sflag:s0], s1  }
0x14f: {  	s1 =	ssub.s32 @!p0 $0x0, s1;
	[sflag:s0] =	ssyncset.done @!p0 $0x0  }
0x150: {  	[sflag:s0] =	ssyncadd.s32 @!p0 s1  }
0x151: {  	[bflag:$0x3] =	sbarrier.arrive $0xFFFF  }
0x152: {  	_ =	shalt  }

</sc_bundles>
